<compile_context>
chip_gen: v7x
topology: tpu7x:2x2x1
jax: 0.10.2.dev20260603
libtpu: 0.0.44.dev20260713+nightly
codegen_flags: <defaults>
</compile_context>

<pallas_src>
import functools

import jax
import jax.numpy as jnp
from jax import lax
from jax.experimental import pallas as pl
from jax.experimental.pallas import tpu as pltpu
from jax.experimental.pallas import tpu_sc as plsc

N = 2
C = 192
H = 224
W = 224
HW = H * W
NPIX = N * HW
NPLANES = N * C

NC = 2
NS = 16
NW = NC * NS
LANES = 16

PLANES_PER_TILE = NPLANES // NW
P = 1568
NCHUNK = HW // P
VPC = P // LANES
CB = 4 * P
TOTAL_CHUNKS = PLANES_PER_TILE * NCHUNK
CHUNKS_PER_SUB = NCHUNK // NS

_mesh = plsc.VectorSubcoreMesh(core_axis_name="c", subcore_axis_name="s",
                               num_cores=NC, num_subcores=NS)


def _axis_decomp(v, size):
    vc = jnp.clip(v, -8.0, float(size) + 8.0)
    ti = vc.astype(jnp.int32)
    tf = ti.astype(jnp.float32)
    neg = tf > vc
    flo = tf - jnp.where(neg, 1.0, 0.0).astype(jnp.float32)
    i0 = ti - jnp.where(neg, 1, 0).astype(jnp.int32)
    t = vc - flo
    b = jnp.clip(i0, 0, size - 2)
    lo = i0 == -1
    hi = i0 == size - 1
    oob = (i0 < -1) | (i0 > size - 1)
    one = jnp.full((LANES,), 1.0, jnp.float32)
    zero = jnp.full((LANES,), 0.0, jnp.float32)
    s = jnp.where(oob, zero, jnp.where(lo, t, jnp.where(hi, one - t, one)))
    ta = jnp.where(lo, zero, jnp.where(hi, one, t))
    return b, ta, s


@functools.partial(
    pl.kernel,
    out_type=jax.ShapeDtypeStruct((NPLANES * HW,), jnp.float32),
    mesh=_mesh,
    compiler_params=pltpu.CompilerParams(needs_layout_passes=False),
    scratch_types=[
        pltpu.VMEM((2 * HW,), jnp.float32),
        pltpu.VMEM((2 * CB,), jnp.int32),
        pltpu.VMEM((2 * P,), jnp.float32),
        pltpu.VMEM_SHARED((NCHUNK * CB,), jnp.int32),
        pltpu.SemaphoreType.DMA((2,)),
        pltpu.SemaphoreType.DMA((2,)),
        pltpu.SemaphoreType.DMA((2,)),
    ],
)
def _warp_kernel(grid_hbm, x_hbm, out_hbm, planes, cbv, outv, cbs,
                 sem_p, sem_c, sem_o):
    n = lax.axis_index("c")
    sub = lax.axis_index("s")
    wid = n * NS + sub

    lane = lax.iota(jnp.int32, LANES)

    def p0_chunk(cc, carry):
        j = sub * CHUNKS_PER_SUB + cc
        g = n * NCHUNK + j
        pltpu.sync_copy(grid_hbm.at[pl.ds(g * 2 * P, 2 * P)],
                        cbv.at[pl.ds(CB, 2 * P)])

        @plsc.parallel_loop(0, P, LANES, unroll=7)
        def p0_body(b):
            src = CB + 2 * b + 2 * lane
            gxv = plsc.bitcast(plsc.load_gather(cbv, [src]), jnp.float32)
            gyv = plsc.bitcast(plsc.load_gather(cbv, [src + 1]), jnp.float32)
            ix = ((gxv + 1.0) * float(W) - 1.0) * 0.5
            iy = ((gyv + 1.0) * float(H) - 1.0) * 0.5
            bx, tx, sx = _axis_decomp(ix, W)
            by, ty, sy = _axis_decomp(iy, H)
            cbv[pl.ds(b, LANES)] = by * W + bx
            cbv[pl.ds(P + b, LANES)] = plsc.bitcast(tx, jnp.int32)
            cbv[pl.ds(2 * P + b, LANES)] = plsc.bitcast(ty, jnp.int32)
            cbv[pl.ds(3 * P + b, LANES)] = plsc.bitcast(sx * sy, jnp.int32)

        pltpu.sync_copy(cbv.at[pl.ds(0, CB)], cbs.at[pl.ds(j * CB, CB)])
        return carry

    lax.fori_loop(0, CHUNKS_PER_SUB, p0_chunk, 0)
    plsc.subcore_barrier()

    def plane_src(it):
        return x_hbm.at[pl.ds((wid * PLANES_PER_TILE + it) * HW, HW)]

    def cb_src(j):
        return cbs.at[pl.ds(j * CB, CB)]

    pltpu.async_copy(plane_src(0), planes.at[pl.ds(0, HW)], sem_p.at[0])
    pltpu.async_copy(cb_src(0), cbv.at[pl.ds(0, CB)], sem_c.at[0])

    def plane_body(it, carry):
        pp = lax.rem(it, 2)
        pltpu.make_async_copy(plane_src(it), planes.at[pl.ds(pp * HW, HW)],
                              sem_p.at[pp]).wait()

        @pl.when(it < PLANES_PER_TILE - 1)
        def _():
            pltpu.async_copy(plane_src(it + 1),
                             planes.at[pl.ds((1 - pp) * HW, HW)],
                             sem_p.at[1 - pp])

        def chunk_body(j, carry2):
            g = it * NCHUNK + j
            cp = lax.rem(g, 2)
            pltpu.make_async_copy(cb_src(j), cbv.at[pl.ds(cp * CB, CB)],
                                  sem_c.at[cp]).wait()

            @pl.when(g < TOTAL_CHUNKS - 1)
            def _():
                jn = lax.rem(j + 1, NCHUNK)
                pltpu.async_copy(cb_src(jn), cbv.at[pl.ds((1 - cp) * CB, CB)],
                                 sem_c.at[1 - cp])

            op = lax.rem(g, 2)
            @pl.when(g >= 2)
            def _():
                pltpu.make_async_copy(outv.at[pl.ds(op * P, P)],
                                      out_hbm.at[pl.ds(0, P)],
                                      sem_o.at[op]).wait()

            ibase = cp * CB
            pbase = pp * HW

            @plsc.parallel_loop(0, P, LANES, unroll=7)
            def vbody(b):
                i0 = cbv[pl.ds(ibase + b, LANES)] + pbase
                txv = plsc.bitcast(cbv[pl.ds(ibase + P + b, LANES)], jnp.float32)
                tyv = plsc.bitcast(cbv[pl.ds(ibase + 2 * P + b, LANES)], jnp.float32)
                sv = plsc.bitcast(cbv[pl.ds(ibase + 3 * P + b, LANES)], jnp.float32)
                v00 = plsc.load_gather(planes, [i0])
                v01 = plsc.load_gather(planes, [i0 + 1])
                v10 = plsc.load_gather(planes, [i0 + W])
                v11 = plsc.load_gather(planes, [i0 + W + 1])
                h0 = v00 + txv * (v01 - v00)
                h1 = v10 + txv * (v11 - v10)
                outv[pl.ds(op * P + b, LANES)] = sv * (h0 + tyv * (h1 - h0))

            pltpu.async_copy(
                outv.at[pl.ds(op * P, P)],
                out_hbm.at[pl.ds((wid * PLANES_PER_TILE + it) * HW + j * P, P)],
                sem_o.at[op])
            return carry2

        lax.fori_loop(0, NCHUNK, chunk_body, 0)
        return carry

    lax.fori_loop(0, PLANES_PER_TILE, plane_body, 0)
    pltpu.make_async_copy(outv.at[pl.ds(0, P)], out_hbm.at[pl.ds(0, P)],
                          sem_o.at[0]).wait()
    pltpu.make_async_copy(outv.at[pl.ds(P, P)], out_hbm.at[pl.ds(0, P)],
                          sem_o.at[1]).wait()


def kernel(x, grid):
    grid_i = lax.bitcast_convert_type(grid, jnp.int32).reshape(NPIX * 2)
    xf = x.reshape(NPLANES * HW)
    out = _warp_kernel(grid_i, xf)
    return out.reshape(N, C, H, W)

# --- scband reference (transcript-rebuilt; emitter-appended) ---
"""Pipeline reference for scband-flow-warping-layer-27779848471558 (READ-ONLY COPY).

The authoritative reference and input builder live on the scoring server;
editing this copy changes nothing except your own understanding.
"""

import jax, jax.numpy as jnp
import numpy as np


def setup_inputs(seed: int = 0):
    key = jax.random.key(seed)
    k1, k2 = jax.random.split(key)
    x = jax.random.normal(k1, (2, 192, 224, 224), dtype=jnp.float32)
    grid = jax.random.uniform(k2, (2, 224, 224, 2), dtype=jnp.float32, minval=-1.0, maxval=1.0)
    return {"x": x, "grid": grid}


def _grid_sample_bilinear(x, grid):
    # Faithful port of torch.nn.functional.grid_sample(mode='bilinear',
    # padding_mode='zeros', align_corners=False).
    N, C, H, W = x.shape
    gx = grid[..., 0]
    gy = grid[..., 1]
    # unnormalize coords (align_corners=False)
    ix = ((gx + 1.0) * W - 1.0) / 2.0
    iy = ((gy + 1.0) * H - 1.0) / 2.0
    ix0 = jnp.floor(ix)
    iy0 = jnp.floor(iy)
    ix1 = ix0 + 1.0
    iy1 = iy0 + 1.0
    wx1 = ix - ix0
    wx0 = 1.0 - wx1
    wy1 = iy - iy0
    wy0 = 1.0 - wy1
    b = jnp.arange(N)[:, None, None]

    def sample(iyf, ixf):
        valid = ((iyf >= 0.0) & (iyf <= H - 1.0) & (ixf >= 0.0) & (ixf <= W - 1.0)).astype(x.dtype)
        iyc = jnp.clip(iyf.astype(jnp.int32), 0, H - 1)
        ixc = jnp.clip(ixf.astype(jnp.int32), 0, W - 1)
        v = x[b, :, iyc, ixc]  # [N, Ho, Wo, C] gather
        return v * valid[..., None]

    out = (sample(iy0, ix0) * (wy0 * wx0)[..., None]
           + sample(iy0, ix1) * (wy0 * wx1)[..., None]
           + sample(iy1, ix0) * (wy1 * wx0)[..., None]
           + sample(iy1, ix1) * (wy1 * wx1)[..., None])
    return jnp.transpose(out, (0, 3, 1, 2))


def reference(x, grid):
    return _grid_sample_bilinear(x, grid)

if __name__ == "__main__":
    import jax
    _d = setup_inputs()
    print(jax.jit(kernel)(*tuple(_d.values())))

</pallas_src>

<mosaic_0001>
#map = affine_map<(d0, d1) -> (0)>
module attributes {stable_mosaic.version = 14 : i64} {
  func.func @_warp_kernel(%arg0: i32, %arg1: i32, %arg2: memref<200704xi32, #tpu.memory_space<hbm>>, %arg3: memref<19267584xf32, #tpu.memory_space<hbm>>, %arg4: memref<19267584xf32, #tpu.memory_space<hbm>>, %arg5: memref<100352xf32, #tpu.memory_space<vmem>>, %arg6: memref<12544xi32, #tpu.memory_space<vmem>>, %arg7: memref<3136xf32, #tpu.memory_space<vmem>>, %arg8: memref<200704xi32, #tpu.memory_space<vmem_shared>>, %arg9: memref<2x!tpu.dma_semaphore, #tpu.memory_space<semaphore_mem>>, %arg10: memref<2x!tpu.dma_semaphore, #tpu.memory_space<semaphore_mem>>, %arg11: memref<2x!tpu.dma_semaphore, #tpu.memory_space<semaphore_mem>>) attributes {dimension_semantics = [#tpu.dimension_semantics<core_parallel>, #tpu.dimension_semantics<subcore_parallel>], iteration_bounds = array<i64: 2, 16>, scalar_prefetch = 0 : i64, scratch_operands = 7 : i64, tpu.core_type = #tpu.core_type<sc_vector_subcore>, window_params = [{transform_indices = #map}, {transform_indices = #map}, {transform_indices = #map}]} {
    %mul3A = arith.constant 16 : i32
    %mul3A_0 = arith.muli %arg0, %mul3A : i32
    %add3A = arith.addi %mul3A_0, %arg1 : i32
    %iota3A = tpu.iota {dimensions = array<i32: 0>} : vector<16xi32>
    %scan3A = arith.constant 0 : i32
    %scan3A_1 = arith.constant 0 : i32
    %scan3A_2 = arith.constant 2 : i32
    %scan3A_3 = arith.addi %scan3A_1, %scan3A_2 : i32
    %scan3A_4 = arith.constant 1 : i32
    scf.for %scan3A_58 = %scan3A_1 to %scan3A_3 step %scan3A_4  : i32 {
      %mul3A_59 = arith.constant 2 : i32
      %mul3A_60 = arith.muli %arg1, %mul3A_59 : i32
      %add3A_61 = arith.addi %mul3A_60, %scan3A_58 : i32
      %mul3A_62 = arith.constant 32 : i32
      %mul3A_63 = arith.muli %arg0, %mul3A_62 : i32
      %add3A_64 = arith.addi %mul3A_63, %add3A_61 : i32
      %mul3A_65 = arith.constant 2 : i32
      %mul3A_66 = arith.muli %add3A_64, %mul3A_65 : i32
      %mul3A_67 = arith.constant 1568 : i32
      %mul3A_68 = arith.muli %mul3A_66, %mul3A_67 : i32
      "tpu.region"() ({
        %run_scoped3A = tpu.sem_alloc : memref<!tpu.dma_semaphore, #tpu.memory_space<semaphore_mem>>
        %dma_start3A_73 = arith.constant 6272 : i32
        %dma_start3A_74 = tpu.memref_slice %arg6[%dma_start3A_73] : memref<12544xi32, #tpu.memory_space<vmem>> -> memref<3136xi32, #tpu.memory_space<vmem>>
        %dma_start3A_75 = tpu.memref_slice %arg2[%mul3A_68] : memref<200704xi32, #tpu.memory_space<hbm>> -> memref<3136xi32, #tpu.memory_space<hbm>>
        %dma_start3A_76 = arith.constant 6272 : i32
        %dma_start3A_77 = tpu.memref_slice %arg6[%dma_start3A_76] : memref<12544xi32, #tpu.memory_space<vmem>> -> memref<3136xi32, #tpu.memory_space<vmem>>
        %dma_start3A_78 = tpu.memref_slice %arg2[%mul3A_68] : memref<200704xi32, #tpu.memory_space<hbm>> -> memref<3136xi32, #tpu.memory_space<hbm>>
        tpu.enqueue_dma source(%dma_start3A_78 : memref<3136xi32, #tpu.memory_space<hbm>>) target(%dma_start3A_77 : memref<3136xi32, #tpu.memory_space<vmem>>) target_semaphore(%run_scoped3A : memref<!tpu.dma_semaphore, #tpu.memory_space<semaphore_mem>>)
        %dma_wait3A_79 = arith.constant 6272 : i32
        %dma_wait3A_80 = tpu.memref_slice %arg6[%dma_wait3A_79] : memref<12544xi32, #tpu.memory_space<vmem>> -> memref<3136xi32, #tpu.memory_space<vmem>>
        %dma_wait3A_81 = tpu.memref_slice %arg2[%mul3A_68] : memref<200704xi32, #tpu.memory_space<hbm>> -> memref<3136xi32, #tpu.memory_space<hbm>>
        %dma_wait3A_82 = arith.constant 6272 : i32
        %dma_wait3A_83 = tpu.memref_slice %arg6[%dma_wait3A_82] : memref<12544xi32, #tpu.memory_space<vmem>> -> memref<3136xi32, #tpu.memory_space<vmem>>
        %dma_wait3A_84 = tpu.memref_slice %arg2[%mul3A_68] : memref<200704xi32, #tpu.memory_space<hbm>> -> memref<3136xi32, #tpu.memory_space<hbm>>
        tpu.wait_dma2 semaphore(%run_scoped3A : memref<!tpu.dma_semaphore, #tpu.memory_space<semaphore_mem>>) src(%dma_wait3A_84 : memref<3136xi32, #tpu.memory_space<hbm>>) dst(%dma_wait3A_83 : memref<3136xi32, #tpu.memory_space<vmem>>)
        tpu.yield
      }) : () -> ()
      %parallel_loop3A = arith.constant 0 : i32
      %parallel_loop3A_69 = arith.constant 1568 : i32
      %parallel_loop3A_70 = arith.constant 16 : i32
      scf.for %parallel_loop3A_73 = %parallel_loop3A to %parallel_loop3A_69 step %parallel_loop3A_70  : i32 {
        %parallel_loop3A_74 = arith.constant 2 : i32
        %parallel_loop3A_75 = arith.muli %parallel_loop3A_74, %parallel_loop3A_73 : i32
        %parallel_loop3A_76 = arith.constant 6272 : i32
        %parallel_loop3A_77 = arith.addi %parallel_loop3A_76, %parallel_loop3A_75 : i32
        %parallel_loop3A_78 = arith.constant 2 : i32
        %parallel_loop3A_79 = vector.broadcast %parallel_loop3A_78 : i32 to vector<16xi32>
        %parallel_loop3A_80 = arith.muli %parallel_loop3A_79, %iota3A : vector<16xi32>
        %parallel_loop3A_81 = vector.broadcast %parallel_loop3A_77 : i32 to vector<16xi32>
        %parallel_loop3A_82 = arith.addi %parallel_loop3A_81, %parallel_loop3A_80 : vector<16xi32>
        %parallel_loop3A_83 = tpu.vector_load_idx %arg6[%parallel_loop3A_82] : memref<12544xi32, #tpu.memory_space<vmem>>[vector<16xi32>], vector<16xi32>,
        %parallel_loop3A_84 = vector.bitcast %parallel_loop3A_83 : vector<16xi32> to vector<16xf32>
        %parallel_loop3A_85 = arith.constant 1 : i32
        %parallel_loop3A_86 = vector.broadcast %parallel_loop3A_85 : i32 to vector<16xi32>
        %parallel_loop3A_87 = arith.addi %parallel_loop3A_82, %parallel_loop3A_86 : vector<16xi32>
        %parallel_loop3A_88 = tpu.vector_load_idx %arg6[%parallel_loop3A_87] : memref<12544xi32, #tpu.memory_space<vmem>>[vector<16xi32>], vector<16xi32>,
        %parallel_loop3A_89 = vector.bitcast %parallel_loop3A_88 : vector<16xi32> to vector<16xf32>
        %parallel_loop3A_90 = arith.constant 1.000000e+00 : f32
        %parallel_loop3A_91 = vector.broadcast %parallel_loop3A_90 : f32 to vector<16xf32>
        %parallel_loop3A_92 = arith.addf %parallel_loop3A_84, %parallel_loop3A_91 : vector<16xf32>
        %parallel_loop3A_93 = arith.constant 2.240000e+02 : f32
        %parallel_loop3A_94 = vector.broadcast %parallel_loop3A_93 : f32 to vector<16xf32>
        %parallel_loop3A_95 = arith.mulf %parallel_loop3A_92, %parallel_loop3A_94 : vector<16xf32>
        %parallel_loop3A_96 = arith.constant 1.000000e+00 : f32
        %parallel_loop3A_97 = vector.broadcast %parallel_loop3A_96 : f32 to vector<16xf32>
        %parallel_loop3A_98 = arith.subf %parallel_loop3A_95, %parallel_loop3A_97 : vector<16xf32>
        %parallel_loop3A_99 = arith.constant 5.000000e-01 : f32
        %parallel_loop3A_100 = vector.broadcast %parallel_loop3A_99 : f32 to vector<16xf32>
        %parallel_loop3A_101 = arith.mulf %parallel_loop3A_98, %parallel_loop3A_100 : vector<16xf32>
        %parallel_loop3A_102 = arith.constant 1.000000e+00 : f32
        %parallel_loop3A_103 = vector.broadcast %parallel_loop3A_102 : f32 to vector<16xf32>
        %parallel_loop3A_104 = arith.addf %parallel_loop3A_89, %parallel_loop3A_103 : vector<16xf32>
        %parallel_loop3A_105 = arith.constant 2.240000e+02 : f32
        %parallel_loop3A_106 = vector.broadcast %parallel_loop3A_105 : f32 to vector<16xf32>
        %parallel_loop3A_107 = arith.mulf %parallel_loop3A_104, %parallel_loop3A_106 : vector<16xf32>
        %parallel_loop3A_108 = arith.constant 1.000000e+00 : f32
        %parallel_loop3A_109 = vector.broadcast %parallel_loop3A_108 : f32 to vector<16xf32>
        %parallel_loop3A_110 = arith.subf %parallel_loop3A_107, %parallel_loop3A_109 : vector<16xf32>
        %parallel_loop3A_111 = arith.constant 5.000000e-01 : f32
        %parallel_loop3A_112 = vector.broadcast %parallel_loop3A_111 : f32 to vector<16xf32>
        %parallel_loop3A_113 = arith.mulf %parallel_loop3A_110, %parallel_loop3A_112 : vector<16xf32>
        %parallel_loop3A_114 = arith.constant -8.000000e+00 : f32
        %parallel_loop3A_115 = arith.constant 2.320000e+02 : f32
        %parallel_loop3A_116 = vector.broadcast %parallel_loop3A_114 : f32 to vector<16xf32>
        %parallel_loop3A_117 = arith.maximumf %parallel_loop3A_116, %parallel_loop3A_101 : vector<16xf32>
        %parallel_loop3A_118 = vector.broadcast %parallel_loop3A_115 : f32 to vector<16xf32>
        %parallel_loop3A_119 = arith.minimumf %parallel_loop3A_118, %parallel_loop3A_117 : vector<16xf32>
        %parallel_loop3A_120 = arith.fptosi %parallel_loop3A_119 : vector<16xf32> to vector<16xi32>
        %parallel_loop3A_121 = arith.sitofp %parallel_loop3A_120 : vector<16xi32> to vector<16xf32>
        %parallel_loop3A_122 = arith.cmpf ogt, %parallel_loop3A_121, %parallel_loop3A_119 : vector<16xf32>
        %parallel_loop3A_123 = arith.constant 1.000000e+00 : f32
        %parallel_loop3A_124 = arith.constant 0.000000e+00 : f32
        %parallel_loop3A_125 = vector.broadcast %parallel_loop3A_123 : f32 to vector<16xf32>
        %parallel_loop3A_126 = vector.broadcast %parallel_loop3A_124 : f32 to vector<16xf32>
        %parallel_loop3A_127 = arith.select %parallel_loop3A_122, %parallel_loop3A_125, %parallel_loop3A_126 : vector<16xi1>, vector<16xf32>
        %parallel_loop3A_128 = arith.subf %parallel_loop3A_121, %parallel_loop3A_127 : vector<16xf32>
        %parallel_loop3A_129 = arith.constant 1 : i32
        %parallel_loop3A_130 = arith.constant 0 : i32
        %parallel_loop3A_131 = vector.broadcast %parallel_loop3A_129 : i32 to vector<16xi32>
        %parallel_loop3A_132 = vector.broadcast %parallel_loop3A_130 : i32 to vector<16xi32>
        %parallel_loop3A_133 = arith.select %parallel_loop3A_122, %parallel_loop3A_131, %parallel_loop3A_132 : vector<16xi1>, vector<16xi32>
        %parallel_loop3A_134 = arith.subi %parallel_loop3A_120, %parallel_loop3A_133 : vector<16xi32>
        %parallel_loop3A_135 = arith.subf %parallel_loop3A_119, %parallel_loop3A_128 : vector<16xf32>
        %parallel_loop3A_136 = arith.constant 0 : i32
        %parallel_loop3A_137 = arith.constant 222 : i32
        %parallel_loop3A_138 = vector.broadcast %parallel_loop3A_136 : i32 to vector<16xi32>
        %parallel_loop3A_139 = arith.maxsi %parallel_loop3A_138, %parallel_loop3A_134 : vector<16xi32>
        %parallel_loop3A_140 = vector.broadcast %parallel_loop3A_137 : i32 to vector<16xi32>
        %parallel_loop3A_141 = arith.minsi %parallel_loop3A_140, %parallel_loop3A_139 : vector<16xi32>
        %parallel_loop3A_142 = arith.constant -1 : i32
        %parallel_loop3A_143 = vector.broadcast %parallel_loop3A_142 : i32 to vector<16xi32>
        %parallel_loop3A_144 = arith.cmpi eq, %parallel_loop3A_134, %parallel_loop3A_143 : vector<16xi32>
        %parallel_loop3A_145 = arith.constant 223 : i32
        %parallel_loop3A_146 = vector.broadcast %parallel_loop3A_145 : i32 to vector<16xi32>
        %parallel_loop3A_147 = arith.cmpi eq, %parallel_loop3A_134, %parallel_loop3A_146 : vector<16xi32>
        %parallel_loop3A_148 = arith.constant -1 : i32
        %parallel_loop3A_149 = vector.broadcast %parallel_loop3A_148 : i32 to vector<16xi32>
        %parallel_loop3A_150 = arith.cmpi slt, %parallel_loop3A_134, %parallel_loop3A_149 : vector<16xi32>
        %parallel_loop3A_151 = arith.constant 223 : i32
        %parallel_loop3A_152 = vector.broadcast %parallel_loop3A_151 : i32 to vector<16xi32>
        %parallel_loop3A_153 = arith.cmpi sgt, %parallel_loop3A_134, %parallel_loop3A_152 : vector<16xi32>
        %parallel_loop3A_154 = arith.ori %parallel_loop3A_150, %parallel_loop3A_153 : vector<16xi1>
        %parallel_loop3A_155 = arith.constant 1.000000e+00 : f32
        %parallel_loop3A_156 = vector.broadcast %parallel_loop3A_155 : f32 to vector<16xf32>
        %parallel_loop3A_157 = arith.constant 0.000000e+00 : f32
        %parallel_loop3A_158 = vector.broadcast %parallel_loop3A_157 : f32 to vector<16xf32>
        %parallel_loop3A_159 = arith.subf %parallel_loop3A_156, %parallel_loop3A_135 : vector<16xf32>
        %parallel_loop3A_160 = arith.select %parallel_loop3A_147, %parallel_loop3A_159, %parallel_loop3A_156 : vector<16xi1>, vector<16xf32>
        %parallel_loop3A_161 = arith.select %parallel_loop3A_144, %parallel_loop3A_135, %parallel_loop3A_160 : vector<16xi1>, vector<16xf32>
        %parallel_loop3A_162 = arith.select %parallel_loop3A_154, %parallel_loop3A_158, %parallel_loop3A_161 : vector<16xi1>, vector<16xf32>
        %parallel_loop3A_163 = arith.select %parallel_loop3A_147, %parallel_loop3A_156, %parallel_loop3A_135 : vector<16xi1>, vector<16xf32>
        %parallel_loop3A_164 = arith.select %parallel_loop3A_144, %parallel_loop3A_158, %parallel_loop3A_163 : vector<16xi1>, vector<16xf32>
        %parallel_loop3A_165 = arith.constant -8.000000e+00 : f32
        %parallel_loop3A_166 = arith.constant 2.320000e+02 : f32
        %parallel_loop3A_167 = vector.broadcast %parallel_loop3A_165 : f32 to vector<16xf32>
        %parallel_loop3A_168 = arith.maximumf %parallel_loop3A_167, %parallel_loop3A_113 : vector<16xf32>
        %parallel_loop3A_169 = vector.broadcast %parallel_loop3A_166 : f32 to vector<16xf32>
        %parallel_loop3A_170 = arith.minimumf %parallel_loop3A_169, %parallel_loop3A_168 : vector<16xf32>
        %parallel_loop3A_171 = arith.fptosi %parallel_loop3A_170 : vector<16xf32> to vector<16xi32>
        %parallel_loop3A_172 = arith.sitofp %parallel_loop3A_171 : vector<16xi32> to vector<16xf32>
        %parallel_loop3A_173 = arith.cmpf ogt, %parallel_loop3A_172, %parallel_loop3A_170 : vector<16xf32>
        %parallel_loop3A_174 = arith.constant 1.000000e+00 : f32
        %parallel_loop3A_175 = arith.constant 0.000000e+00 : f32
        %parallel_loop3A_176 = vector.broadcast %parallel_loop3A_174 : f32 to vector<16xf32>
        %parallel_loop3A_177 = vector.broadcast %parallel_loop3A_175 : f32 to vector<16xf32>
        %parallel_loop3A_178 = arith.select %parallel_loop3A_173, %parallel_loop3A_176, %parallel_loop3A_177 : vector<16xi1>, vector<16xf32>
        %parallel_loop3A_179 = arith.subf %parallel_loop3A_172, %parallel_loop3A_178 : vector<16xf32>
        %parallel_loop3A_180 = arith.constant 1 : i32
        %parallel_loop3A_181 = arith.constant 0 : i32
        %parallel_loop3A_182 = vector.broadcast %parallel_loop3A_180 : i32 to vector<16xi32>
        %parallel_loop3A_183 = vector.broadcast %parallel_loop3A_181 : i32 to vector<16xi32>
        %parallel_loop3A_184 = arith.select %parallel_loop3A_173, %parallel_loop3A_182, %parallel_loop3A_183 : vector<16xi1>, vector<16xi32>
        %parallel_loop3A_185 = arith.subi %parallel_loop3A_171, %parallel_loop3A_184 : vector<16xi32>
        %parallel_loop3A_186 = arith.subf %parallel_loop3A_170, %parallel_loop3A_179 : vector<16xf32>
        %parallel_loop3A_187 = arith.constant 0 : i32
        %parallel_loop3A_188 = arith.constant 222 : i32
        %parallel_loop3A_189 = vector.broadcast %parallel_loop3A_187 : i32 to vector<16xi32>
        %parallel_loop3A_190 = arith.maxsi %parallel_loop3A_189, %parallel_loop3A_185 : vector<16xi32>
        %parallel_loop3A_191 = vector.broadcast %parallel_loop3A_188 : i32 to vector<16xi32>
        %parallel_loop3A_192 = arith.minsi %parallel_loop3A_191, %parallel_loop3A_190 : vector<16xi32>
        %parallel_loop3A_193 = arith.constant -1 : i32
        %parallel_loop3A_194 = vector.broadcast %parallel_loop3A_193 : i32 to vector<16xi32>
        %parallel_loop3A_195 = arith.cmpi eq, %parallel_loop3A_185, %parallel_loop3A_194 : vector<16xi32>
        %parallel_loop3A_196 = arith.constant 223 : i32
        %parallel_loop3A_197 = vector.broadcast %parallel_loop3A_196 : i32 to vector<16xi32>
        %parallel_loop3A_198 = arith.cmpi eq, %parallel_loop3A_185, %parallel_loop3A_197 : vector<16xi32>
        %parallel_loop3A_199 = arith.constant -1 : i32
        %parallel_loop3A_200 = vector.broadcast %parallel_loop3A_199 : i32 to vector<16xi32>
        %parallel_loop3A_201 = arith.cmpi slt, %parallel_loop3A_185, %parallel_loop3A_200 : vector<16xi32>
        %parallel_loop3A_202 = arith.constant 223 : i32
        %parallel_loop3A_203 = vector.broadcast %parallel_loop3A_202 : i32 to vector<16xi32>
        %parallel_loop3A_204 = arith.cmpi sgt, %parallel_loop3A_185, %parallel_loop3A_203 : vector<16xi32>
        %parallel_loop3A_205 = arith.ori %parallel_loop3A_201, %parallel_loop3A_204 : vector<16xi1>
        %parallel_loop3A_206 = arith.constant 1.000000e+00 : f32
        %parallel_loop3A_207 = vector.broadcast %parallel_loop3A_206 : f32 to vector<16xf32>
        %parallel_loop3A_208 = arith.constant 0.000000e+00 : f32
        %parallel_loop3A_209 = vector.broadcast %parallel_loop3A_208 : f32 to vector<16xf32>
        %parallel_loop3A_210 = arith.subf %parallel_loop3A_207, %parallel_loop3A_186 : vector<16xf32>
        %parallel_loop3A_211 = arith.select %parallel_loop3A_198, %parallel_loop3A_210, %parallel_loop3A_207 : vector<16xi1>, vector<16xf32>
        %parallel_loop3A_212 = arith.select %parallel_loop3A_195, %parallel_loop3A_186, %parallel_loop3A_211 : vector<16xi1>, vector<16xf32>
        %parallel_loop3A_213 = arith.select %parallel_loop3A_205, %parallel_loop3A_209, %parallel_loop3A_212 : vector<16xi1>, vector<16xf32>
        %parallel_loop3A_214 = arith.select %parallel_loop3A_198, %parallel_loop3A_207, %parallel_loop3A_186 : vector<16xi1>, vector<16xf32>
        %parallel_loop3A_215 = arith.select %parallel_loop3A_195, %parallel_loop3A_209, %parallel_loop3A_214 : vector<16xi1>, vector<16xf32>
        %parallel_loop3A_216 = arith.constant 224 : i32
        %parallel_loop3A_217 = vector.broadcast %parallel_loop3A_216 : i32 to vector<16xi32>
        %parallel_loop3A_218 = arith.muli %parallel_loop3A_192, %parallel_loop3A_217 : vector<16xi32>
        %parallel_loop3A_219 = arith.addi %parallel_loop3A_218, %parallel_loop3A_141 : vector<16xi32>
        %parallel_loop3A_220 = arith.index_cast %parallel_loop3A_73 : i32 to index
        %parallel_loop3A_221 = tpu.vector_load %arg6[%parallel_loop3A_220] {strides = array<i32>} : memref<12544xi32, #tpu.memory_space<vmem>>, vector<16xi32>,
        tpu.vector_store %arg6[%parallel_loop3A_220], %parallel_loop3A_219 {strides = array<i32>} : memref<12544xi32, #tpu.memory_space<vmem>>, vector<16xi32>,
        %parallel_loop3A_222 = vector.bitcast %parallel_loop3A_164 : vector<16xf32> to vector<16xi32>
        %parallel_loop3A_223 = arith.constant 1568 : i32
        %parallel_loop3A_224 = arith.addi %parallel_loop3A_223, %parallel_loop3A_73 : i32
        %parallel_loop3A_225 = arith.index_cast %parallel_loop3A_224 : i32 to index
        %parallel_loop3A_226 = tpu.vector_load %arg6[%parallel_loop3A_225] {strides = array<i32>} : memref<12544xi32, #tpu.memory_space<vmem>>, vector<16xi32>,
        tpu.vector_store %arg6[%parallel_loop3A_225], %parallel_loop3A_222 {strides = array<i32>} : memref<12544xi32, #tpu.memory_space<vmem>>, vector<16xi32>,
        %parallel_loop3A_227 = vector.bitcast %parallel_loop3A_215 : vector<16xf32> to vector<16xi32>
        %parallel_loop3A_228 = arith.constant 3136 : i32
        %parallel_loop3A_229 = arith.addi %parallel_loop3A_228, %parallel_loop3A_73 : i32
        %parallel_loop3A_230 = arith.index_cast %parallel_loop3A_229 : i32 to index
        %parallel_loop3A_231 = tpu.vector_load %arg6[%parallel_loop3A_230] {strides = array<i32>} : memref<12544xi32, #tpu.memory_space<vmem>>, vector<16xi32>,
        tpu.vector_store %arg6[%parallel_loop3A_230], %parallel_loop3A_227 {strides = array<i32>} : memref<12544xi32, #tpu.memory_space<vmem>>, vector<16xi32>,
        %parallel_loop3A_232 = arith.mulf %parallel_loop3A_162, %parallel_loop3A_213 : vector<16xf32>
        %parallel_loop3A_233 = vector.bitcast %parallel_loop3A_232 : vector<16xf32> to vector<16xi32>
        %parallel_loop3A_234 = arith.constant 4704 : i32
        %parallel_loop3A_235 = arith.addi %parallel_loop3A_234, %parallel_loop3A_73 : i32
        %parallel_loop3A_236 = arith.index_cast %parallel_loop3A_235 : i32 to index
        %parallel_loop3A_237 = tpu.vector_load %arg6[%parallel_loop3A_236] {strides = array<i32>} : memref<12544xi32, #tpu.memory_space<vmem>>, vector<16xi32>,
        tpu.vector_store %arg6[%parallel_loop3A_236], %parallel_loop3A_233 {strides = array<i32>} : memref<12544xi32, #tpu.memory_space<vmem>>, vector<16xi32>,
      } {sc.loop_unroll_factor = 7 : i64, sc.parallel_access}
      %mul3A_71 = arith.constant 6272 : i32
      %mul3A_72 = arith.muli %add3A_61, %mul3A_71 : i32
      "tpu.region"() ({
        %run_scoped3A = tpu.sem_alloc : memref<!tpu.dma_semaphore, #tpu.memory_space<semaphore_mem>>
        %dma_start3A_73 = arith.constant 0 : i32
        %dma_start3A_74 = tpu.memref_slice %arg6[%dma_start3A_73] : memref<12544xi32, #tpu.memory_space<vmem>> -> memref<6272xi32, #tpu.memory_space<vmem>>
        %dma_start3A_75 = tpu.memref_slice %arg8[%mul3A_72] : memref<200704xi32, #tpu.memory_space<vmem_shared>> -> memref<6272xi32, #tpu.memory_space<vmem_shared>>
        %dma_start3A_76 = tpu.memref_slice %arg8[%mul3A_72] : memref<200704xi32, #tpu.memory_space<vmem_shared>> -> memref<6272xi32, #tpu.memory_space<vmem_shared>>
        %dma_start3A_77 = arith.constant 0 : i32
        %dma_start3A_78 = tpu.memref_slice %arg6[%dma_start3A_77] : memref<12544xi32, #tpu.memory_space<vmem>> -> memref<6272xi32, #tpu.memory_space<vmem>>
        tpu.enqueue_dma source(%dma_start3A_78 : memref<6272xi32, #tpu.memory_space<vmem>>) target(%dma_start3A_76 : memref<6272xi32, #tpu.memory_space<vmem_shared>>) target_semaphore(%run_scoped3A : memref<!tpu.dma_semaphore, #tpu.memory_space<semaphore_mem>>)
        %dma_wait3A_79 = arith.constant 0 : i32
        %dma_wait3A_80 = tpu.memref_slice %arg6[%dma_wait3A_79] : memref<12544xi32, #tpu.memory_space<vmem>> -> memref<6272xi32, #tpu.memory_space<vmem>>
        %dma_wait3A_81 = tpu.memref_slice %arg8[%mul3A_72] : memref<200704xi32, #tpu.memory_space<vmem_shared>> -> memref<6272xi32, #tpu.memory_space<vmem_shared>>
        %dma_wait3A_82 = tpu.memref_slice %arg8[%mul3A_72] : memref<200704xi32, #tpu.memory_space<vmem_shared>> -> memref<6272xi32, #tpu.memory_space<vmem_shared>>
        %dma_wait3A_83 = arith.constant 0 : i32
        %dma_wait3A_84 = tpu.memref_slice %arg6[%dma_wait3A_83] : memref<12544xi32, #tpu.memory_space<vmem>> -> memref<6272xi32, #tpu.memory_space<vmem>>
        tpu.wait_dma2 semaphore(%run_scoped3A : memref<!tpu.dma_semaphore, #tpu.memory_space<semaphore_mem>>) src(%dma_wait3A_84 : memref<6272xi32, #tpu.memory_space<vmem>>) dst(%dma_wait3A_82 : memref<6272xi32, #tpu.memory_space<vmem_shared>>)
        tpu.yield
      }) : () -> ()
    }
    %scan3A_5 = arith.constant 2 : i32
    %barrier3A = arith.constant 0 : index
    tpu.barrier barrier_id(%barrier3A)
    %mul3A_6 = arith.constant 12 : i32
    %mul3A_7 = arith.muli %add3A, %mul3A_6 : i32
    %add3A_8 = arith.constant 0 : i32
    %add3A_9 = arith.addi %mul3A_7, %add3A_8 : i32
    %mul3A_10 = arith.constant 50176 : i32
    %mul3A_11 = arith.muli %add3A_9, %mul3A_10 : i32
    %dma_start3A = arith.constant 0 : i32
    %dma_start3A_12 = arith.constant 0 : i32
    %dma_start3A_13 = tpu.memref_slice %arg5[%dma_start3A_12] : memref<100352xf32, #tpu.memory_space<vmem>> -> memref<50176xf32, #tpu.memory_space<vmem>>
    %dma_start3A_14 = tpu.memref_slice %arg3[%mul3A_11] : memref<19267584xf32, #tpu.memory_space<hbm>> -> memref<50176xf32, #tpu.memory_space<hbm>>
    %dma_start3A_15 = tpu.memref_slice %arg9[%dma_start3A] : memref<2x!tpu.dma_semaphore, #tpu.memory_space<semaphore_mem>> -> memref<1x!tpu.dma_semaphore, #tpu.memory_space<semaphore_mem>>
    %dma_start3A_16 = tpu.memref_squeeze %dma_start3A_15 : memref<1x!tpu.dma_semaphore, #tpu.memory_space<semaphore_mem>> -> memref<!tpu.dma_semaphore, #tpu.memory_space<semaphore_mem>>
    %dma_start3A_17 = arith.constant 0 : i32
    %dma_start3A_18 = tpu.memref_slice %arg5[%dma_start3A_17] : memref<100352xf32, #tpu.memory_space<vmem>> -> memref<50176xf32, #tpu.memory_space<vmem>>
    %dma_start3A_19 = tpu.memref_slice %arg3[%mul3A_11] : memref<19267584xf32, #tpu.memory_space<hbm>> -> memref<50176xf32, #tpu.memory_space<hbm>>
    tpu.enqueue_dma source(%dma_start3A_19 : memref<50176xf32, #tpu.memory_space<hbm>>) target(%dma_start3A_18 : memref<50176xf32, #tpu.memory_space<vmem>>) target_semaphore(%dma_start3A_16 : memref<!tpu.dma_semaphore, #tpu.memory_space<semaphore_mem>>)
    %dma_start3A_20 = arith.constant 0 : i32
    %dma_start3A_21 = arith.constant 0 : i32
    %dma_start3A_22 = tpu.memref_slice %arg6[%dma_start3A_21] : memref<12544xi32, #tpu.memory_space<vmem>> -> memref<6272xi32, #tpu.memory_space<vmem>>
    %dma_start3A_23 = arith.constant 0 : i32
    %dma_start3A_24 = tpu.memref_slice %arg8[%dma_start3A_23] : memref<200704xi32, #tpu.memory_space<vmem_shared>> -> memref<6272xi32, #tpu.memory_space<vmem_shared>>
    %dma_start3A_25 = tpu.memref_slice %arg10[%dma_start3A_20] : memref<2x!tpu.dma_semaphore, #tpu.memory_space<semaphore_mem>> -> memref<1x!tpu.dma_semaphore, #tpu.memory_space<semaphore_mem>>
    %dma_start3A_26 = tpu.memref_squeeze %dma_start3A_25 : memref<1x!tpu.dma_semaphore, #tpu.memory_space<semaphore_mem>> -> memref<!tpu.dma_semaphore, #tpu.memory_space<semaphore_mem>>
    %dma_start3A_27 = arith.constant 0 : i32
    %dma_start3A_28 = tpu.memref_slice %arg6[%dma_start3A_27] : memref<12544xi32, #tpu.memory_space<vmem>> -> memref<6272xi32, #tpu.memory_space<vmem>>
    %dma_start3A_29 = arith.constant 0 : i32
    %dma_start3A_30 = tpu.memref_slice %arg8[%dma_start3A_29] : memref<200704xi32, #tpu.memory_space<vmem_shared>> -> memref<6272xi32, #tpu.memory_space<vmem_shared>>
    tpu.enqueue_dma source(%dma_start3A_30 : memref<6272xi32, #tpu.memory_space<vmem_shared>>) target(%dma_start3A_28 : memref<6272xi32, #tpu.memory_space<vmem>>) target_semaphore(%dma_start3A_26 : memref<!tpu.dma_semaphore, #tpu.memory_space<semaphore_mem>>)
    %scan3A_31 = arith.constant 0 : i32
    %scan3A_32 = arith.constant 0 : i32
    %scan3A_33 = arith.constant 12 : i32
    %scan3A_34 = arith.addi %scan3A_32, %scan3A_33 : i32
    %scan3A_35 = arith.constant 1 : i32
    scf.for %scan3A_58 = %scan3A_32 to %scan3A_34 step %scan3A_35  : i32 {
      %rem3A = arith.constant 2 : i32
      %rem3A_59 = arith.remsi %scan3A_58, %rem3A : i32
      %mul3A_60 = arith.constant 12 : i32
      %mul3A_61 = arith.muli %add3A, %mul3A_60 : i32
      %add3A_62 = arith.addi %mul3A_61, %scan3A_58 : i32
      %mul3A_63 = arith.constant 50176 : i32
      %mul3A_64 = arith.muli %add3A_62, %mul3A_63 : i32
      %mul3A_65 = arith.constant 50176 : i32
      %mul3A_66 = arith.muli %rem3A_59, %mul3A_65 : i32
      %dma_wait3A_67 = tpu.memref_slice %arg5[%mul3A_66] : memref<100352xf32, #tpu.memory_space<vmem>> -> memref<50176xf32, #tpu.memory_space<vmem>>
      %dma_wait3A_68 = tpu.memref_slice %arg3[%mul3A_64] : memref<19267584xf32, #tpu.memory_space<hbm>> -> memref<50176xf32, #tpu.memory_space<hbm>>
      %dma_wait3A_69 = tpu.memref_slice %arg9[%rem3A_59] : memref<2x!tpu.dma_semaphore, #tpu.memory_space<semaphore_mem>> -> memref<1x!tpu.dma_semaphore, #tpu.memory_space<semaphore_mem>>
      %dma_wait3A_70 = tpu.memref_squeeze %dma_wait3A_69 : memref<1x!tpu.dma_semaphore, #tpu.memory_space<semaphore_mem>> -> memref<!tpu.dma_semaphore, #tpu.memory_space<semaphore_mem>>
      %dma_wait3A_71 = tpu.memref_slice %arg5[%mul3A_66] : memref<100352xf32, #tpu.memory_space<vmem>> -> memref<50176xf32, #tpu.memory_space<vmem>>
      %dma_wait3A_72 = tpu.memref_slice %arg3[%mul3A_64] : memref<19267584xf32, #tpu.memory_space<hbm>> -> memref<50176xf32, #tpu.memory_space<hbm>>
      tpu.wait_dma2 semaphore(%dma_wait3A_70 : memref<!tpu.dma_semaphore, #tpu.memory_space<semaphore_mem>>) src(%dma_wait3A_72 : memref<50176xf32, #tpu.memory_space<hbm>>) dst(%dma_wait3A_71 : memref<50176xf32, #tpu.memory_space<vmem>>)
      %lt3A = arith.constant 11 : i32
      %lt3A_73 = arith.cmpi slt, %scan3A_58, %lt3A : i32
      %convert_element_type3A = arith.extui %lt3A_73 : i1 to i32
      %cond3A = arith.constant 0 : i32
      %cond3A_74 = arith.cmpi ne, %convert_element_type3A, %cond3A : i32
      scf.if %cond3A_74 {
        %add3A_81 = arith.constant 1 : i32
        %add3A_82 = arith.addi %scan3A_58, %add3A_81 : i32
        %mul3A_83 = arith.constant 12 : i32
        %mul3A_84 = arith.muli %add3A, %mul3A_83 : i32
        %add3A_85 = arith.addi %mul3A_84, %add3A_82 : i32
        %mul3A_86 = arith.constant 50176 : i32
        %mul3A_87 = arith.muli %add3A_85, %mul3A_86 : i32
        %sub3A = arith.constant 1 : i32
        %sub3A_88 = arith.subi %sub3A, %rem3A_59 : i32
        %mul3A_89 = arith.constant 50176 : i32
        %mul3A_90 = arith.muli %sub3A_88, %mul3A_89 : i32
        %sub3A_91 = arith.constant 1 : i32
        %sub3A_92 = arith.subi %sub3A_91, %rem3A_59 : i32
        %dma_start3A_93 = tpu.memref_slice %arg5[%mul3A_90] : memref<100352xf32, #tpu.memory_space<vmem>> -> memref<50176xf32, #tpu.memory_space<vmem>>
        %dma_start3A_94 = tpu.memref_slice %arg3[%mul3A_87] : memref<19267584xf32, #tpu.memory_space<hbm>> -> memref<50176xf32, #tpu.memory_space<hbm>>
        %dma_start3A_95 = tpu.memref_slice %arg9[%sub3A_92] : memref<2x!tpu.dma_semaphore, #tpu.memory_space<semaphore_mem>> -> memref<1x!tpu.dma_semaphore, #tpu.memory_space<semaphore_mem>>
        %dma_start3A_96 = tpu.memref_squeeze %dma_start3A_95 : memref<1x!tpu.dma_semaphore, #tpu.memory_space<semaphore_mem>> -> memref<!tpu.dma_semaphore, #tpu.memory_space<semaphore_mem>>
        %dma_start3A_97 = tpu.memref_slice %arg5[%mul3A_90] : memref<100352xf32, #tpu.memory_space<vmem>> -> memref<50176xf32, #tpu.memory_space<vmem>>
        %dma_start3A_98 = tpu.memref_slice %arg3[%mul3A_87] : memref<19267584xf32, #tpu.memory_space<hbm>> -> memref<50176xf32, #tpu.memory_space<hbm>>
        tpu.enqueue_dma source(%dma_start3A_98 : memref<50176xf32, #tpu.memory_space<hbm>>) target(%dma_start3A_97 : memref<50176xf32, #tpu.memory_space<vmem>>) target_semaphore(%dma_start3A_96 : memref<!tpu.dma_semaphore, #tpu.memory_space<semaphore_mem>>)
      } else {
      }
      %scan3A_75 = arith.constant 0 : i32
      %scan3A_76 = arith.constant 0 : i32
      %scan3A_77 = arith.constant 32 : i32
      %scan3A_78 = arith.addi %scan3A_76, %scan3A_77 : i32
      %scan3A_79 = arith.constant 1 : i32
      scf.for %scan3A_81 = %scan3A_76 to %scan3A_78 step %scan3A_79  : i32 {
        %mul3A_82 = arith.constant 32 : i32
        %mul3A_83 = arith.muli %scan3A_58, %mul3A_82 : i32
        %add3A_84 = arith.addi %mul3A_83, %scan3A_81 : i32
        %rem3A_85 = arith.constant 2 : i32
        %rem3A_86 = arith.remsi %add3A_84, %rem3A_85 : i32
        %mul3A_87 = arith.constant 6272 : i32
        %mul3A_88 = arith.muli %scan3A_81, %mul3A_87 : i32
        %mul3A_89 = arith.constant 6272 : i32
        %mul3A_90 = arith.muli %rem3A_86, %mul3A_89 : i32
        %dma_wait3A_91 = tpu.memref_slice %arg6[%mul3A_90] : memref<12544xi32, #tpu.memory_space<vmem>> -> memref<6272xi32, #tpu.memory_space<vmem>>
        %dma_wait3A_92 = tpu.memref_slice %arg8[%mul3A_88] : memref<200704xi32, #tpu.memory_space<vmem_shared>> -> memref<6272xi32, #tpu.memory_space<vmem_shared>>
        %dma_wait3A_93 = tpu.memref_slice %arg10[%rem3A_86] : memref<2x!tpu.dma_semaphore, #tpu.memory_space<semaphore_mem>> -> memref<1x!tpu.dma_semaphore, #tpu.memory_space<semaphore_mem>>
        %dma_wait3A_94 = tpu.memref_squeeze %dma_wait3A_93 : memref<1x!tpu.dma_semaphore, #tpu.memory_space<semaphore_mem>> -> memref<!tpu.dma_semaphore, #tpu.memory_space<semaphore_mem>>
        %dma_wait3A_95 = tpu.memref_slice %arg6[%mul3A_90] : memref<12544xi32, #tpu.memory_space<vmem>> -> memref<6272xi32, #tpu.memory_space<vmem>>
        %dma_wait3A_96 = tpu.memref_slice %arg8[%mul3A_88] : memref<200704xi32, #tpu.memory_space<vmem_shared>> -> memref<6272xi32, #tpu.memory_space<vmem_shared>>
        tpu.wait_dma2 semaphore(%dma_wait3A_94 : memref<!tpu.dma_semaphore, #tpu.memory_space<semaphore_mem>>) src(%dma_wait3A_96 : memref<6272xi32, #tpu.memory_space<vmem_shared>>) dst(%dma_wait3A_95 : memref<6272xi32, #tpu.memory_space<vmem>>)
        %lt3A_97 = arith.constant 383 : i32
        %lt3A_98 = arith.cmpi slt, %add3A_84, %lt3A_97 : i32
        %convert_element_type3A_99 = arith.extui %lt3A_98 : i1 to i32
        %cond3A_100 = arith.constant 0 : i32
        %cond3A_101 = arith.cmpi ne, %convert_element_type3A_99, %cond3A_100 : i32
        scf.if %cond3A_101 {
          %add3A_130 = arith.constant 1 : i32
          %add3A_131 = arith.addi %scan3A_81, %add3A_130 : i32
          %rem3A_132 = arith.constant 32 : i32
          %rem3A_133 = arith.remsi %add3A_131, %rem3A_132 : i32
          %mul3A_134 = arith.constant 6272 : i32
          %mul3A_135 = arith.muli %rem3A_133, %mul3A_134 : i32
          %sub3A = arith.constant 1 : i32
          %sub3A_136 = arith.subi %sub3A, %rem3A_86 : i32
          %mul3A_137 = arith.constant 6272 : i32
          %mul3A_138 = arith.muli %sub3A_136, %mul3A_137 : i32
          %sub3A_139 = arith.constant 1 : i32
          %sub3A_140 = arith.subi %sub3A_139, %rem3A_86 : i32
          %dma_start3A_141 = tpu.memref_slice %arg6[%mul3A_138] : memref<12544xi32, #tpu.memory_space<vmem>> -> memref<6272xi32, #tpu.memory_space<vmem>>
          %dma_start3A_142 = tpu.memref_slice %arg8[%mul3A_135] : memref<200704xi32, #tpu.memory_space<vmem_shared>> -> memref<6272xi32, #tpu.memory_space<vmem_shared>>
          %dma_start3A_143 = tpu.memref_slice %arg10[%sub3A_140] : memref<2x!tpu.dma_semaphore, #tpu.memory_space<semaphore_mem>> -> memref<1x!tpu.dma_semaphore, #tpu.memory_space<semaphore_mem>>
          %dma_start3A_144 = tpu.memref_squeeze %dma_start3A_143 : memref<1x!tpu.dma_semaphore, #tpu.memory_space<semaphore_mem>> -> memref<!tpu.dma_semaphore, #tpu.memory_space<semaphore_mem>>
          %dma_start3A_145 = tpu.memref_slice %arg6[%mul3A_138] : memref<12544xi32, #tpu.memory_space<vmem>> -> memref<6272xi32, #tpu.memory_space<vmem>>
          %dma_start3A_146 = tpu.memref_slice %arg8[%mul3A_135] : memref<200704xi32, #tpu.memory_space<vmem_shared>> -> memref<6272xi32, #tpu.memory_space<vmem_shared>>
          tpu.enqueue_dma source(%dma_start3A_146 : memref<6272xi32, #tpu.memory_space<vmem_shared>>) target(%dma_start3A_145 : memref<6272xi32, #tpu.memory_space<vmem>>) target_semaphore(%dma_start3A_144 : memref<!tpu.dma_semaphore, #tpu.memory_space<semaphore_mem>>)
        } else {
        }
        %rem3A_102 = arith.constant 2 : i32
        %rem3A_103 = arith.remsi %add3A_84, %rem3A_102 : i32
        %ge3A = arith.constant 2 : i32
        %ge3A_104 = arith.cmpi sge, %add3A_84, %ge3A : i32
        %convert_element_type3A_105 = arith.extui %ge3A_104 : i1 to i32
        %cond3A_106 = arith.constant 0 : i32
        %cond3A_107 = arith.cmpi ne, %convert_element_type3A_105, %cond3A_106 : i32
        scf.if %cond3A_107 {
          %mul3A_130 = arith.constant 1568 : i32
          %mul3A_131 = arith.muli %rem3A_103, %mul3A_130 : i32
          %dma_wait3A_132 = tpu.memref_slice %arg7[%mul3A_131] : memref<3136xf32, #tpu.memory_space<vmem>> -> memref<1568xf32, #tpu.memory_space<vmem>>
          %dma_wait3A_133 = arith.constant 0 : i32
          %dma_wait3A_134 = tpu.memref_slice %arg4[%dma_wait3A_133] : memref<19267584xf32, #tpu.memory_space<hbm>> -> memref<1568xf32, #tpu.memory_space<hbm>>
          %dma_wait3A_135 = tpu.memref_slice %arg11[%rem3A_103] : memref<2x!tpu.dma_semaphore, #tpu.memory_space<semaphore_mem>> -> memref<1x!tpu.dma_semaphore, #tpu.memory_space<semaphore_mem>>
          %dma_wait3A_136 = tpu.memref_squeeze %dma_wait3A_135 : memref<1x!tpu.dma_semaphore, #tpu.memory_space<semaphore_mem>> -> memref<!tpu.dma_semaphore, #tpu.memory_space<semaphore_mem>>
          %dma_wait3A_137 = arith.constant 0 : i32
          %dma_wait3A_138 = tpu.memref_slice %arg4[%dma_wait3A_137] : memref<19267584xf32, #tpu.memory_space<hbm>> -> memref<1568xf32, #tpu.memory_space<hbm>>
          %dma_wait3A_139 = tpu.memref_slice %arg7[%mul3A_131] : memref<3136xf32, #tpu.memory_space<vmem>> -> memref<1568xf32, #tpu.memory_space<vmem>>
          tpu.wait_dma2 semaphore(%dma_wait3A_136 : memref<!tpu.dma_semaphore, #tpu.memory_space<semaphore_mem>>) src(%dma_wait3A_139 : memref<1568xf32, #tpu.memory_space<vmem>>) dst(%dma_wait3A_138 : memref<1568xf32, #tpu.memory_space<hbm>>)
        } else {
        }
        %mul3A_108 = arith.constant 6272 : i32
        %mul3A_109 = arith.muli %rem3A_86, %mul3A_108 : i32
        %mul3A_110 = arith.constant 50176 : i32
        %mul3A_111 = arith.muli %rem3A_59, %mul3A_110 : i32
        %parallel_loop3A = arith.constant 0 : i32
        %parallel_loop3A_112 = arith.constant 1568 : i32
        %parallel_loop3A_113 = arith.constant 16 : i32
        scf.for %parallel_loop3A_130 = %parallel_loop3A to %parallel_loop3A_112 step %parallel_loop3A_113  : i32 {
          %parallel_loop3A_131 = arith.addi %mul3A_109, %parallel_loop3A_130 : i32
          %parallel_loop3A_132 = arith.index_cast %parallel_loop3A_131 : i32 to index
          %parallel_loop3A_133 = tpu.vector_load %arg6[%parallel_loop3A_132] {strides = array<i32>} : memref<12544xi32, #tpu.memory_space<vmem>>, vector<16xi32>,
          %parallel_loop3A_134 = vector.broadcast %mul3A_111 : i32 to vector<16xi32>
          %parallel_loop3A_135 = arith.addi %parallel_loop3A_133, %parallel_loop3A_134 : vector<16xi32>
          %parallel_loop3A_136 = arith.constant 1568 : i32
          %parallel_loop3A_137 = arith.addi %mul3A_109, %parallel_loop3A_136 : i32
          %parallel_loop3A_138 = arith.addi %parallel_loop3A_137, %parallel_loop3A_130 : i32
          %parallel_loop3A_139 = arith.index_cast %parallel_loop3A_138 : i32 to index
          %parallel_loop3A_140 = tpu.vector_load %arg6[%parallel_loop3A_139] {strides = array<i32>} : memref<12544xi32, #tpu.memory_space<vmem>>, vector<16xi32>,
          %parallel_loop3A_141 = vector.bitcast %parallel_loop3A_140 : vector<16xi32> to vector<16xf32>
          %parallel_loop3A_142 = arith.constant 3136 : i32
          %parallel_loop3A_143 = arith.addi %mul3A_109, %parallel_loop3A_142 : i32
          %parallel_loop3A_144 = arith.addi %parallel_loop3A_143, %parallel_loop3A_130 : i32
          %parallel_loop3A_145 = arith.index_cast %parallel_loop3A_144 : i32 to index
          %parallel_loop3A_146 = tpu.vector_load %arg6[%parallel_loop3A_145] {strides = array<i32>} : memref<12544xi32, #tpu.memory_space<vmem>>, vector<16xi32>,
          %parallel_loop3A_147 = vector.bitcast %parallel_loop3A_146 : vector<16xi32> to vector<16xf32>
          %parallel_loop3A_148 = arith.constant 4704 : i32
          %parallel_loop3A_149 = arith.addi %mul3A_109, %parallel_loop3A_148 : i32
          %parallel_loop3A_150 = arith.addi %parallel_loop3A_149, %parallel_loop3A_130 : i32
          %parallel_loop3A_151 = arith.index_cast %parallel_loop3A_150 : i32 to index
          %parallel_loop3A_152 = tpu.vector_load %arg6[%parallel_loop3A_151] {strides = array<i32>} : memref<12544xi32, #tpu.memory_space<vmem>>, vector<16xi32>,
          %parallel_loop3A_153 = vector.bitcast %parallel_loop3A_152 : vector<16xi32> to vector<16xf32>
          %parallel_loop3A_154 = tpu.vector_load_idx %arg5[%parallel_loop3A_135] : memref<100352xf32, #tpu.memory_space<vmem>>[vector<16xi32>], vector<16xf32>,
          %parallel_loop3A_155 = arith.constant 1 : i32
          %parallel_loop3A_156 = vector.broadcast %parallel_loop3A_155 : i32 to vector<16xi32>
          %parallel_loop3A_157 = arith.addi %parallel_loop3A_135, %parallel_loop3A_156 : vector<16xi32>
          %parallel_loop3A_158 = tpu.vector_load_idx %arg5[%parallel_loop3A_157] : memref<100352xf32, #tpu.memory_space<vmem>>[vector<16xi32>], vector<16xf32>,
          %parallel_loop3A_159 = arith.constant 224 : i32
          %parallel_loop3A_160 = vector.broadcast %parallel_loop3A_159 : i32 to vector<16xi32>
          %parallel_loop3A_161 = arith.addi %parallel_loop3A_135, %parallel_loop3A_160 : vector<16xi32>
          %parallel_loop3A_162 = tpu.vector_load_idx %arg5[%parallel_loop3A_161] : memref<100352xf32, #tpu.memory_space<vmem>>[vector<16xi32>], vector<16xf32>,
          %parallel_loop3A_163 = arith.constant 224 : i32
          %parallel_loop3A_164 = vector.broadcast %parallel_loop3A_163 : i32 to vector<16xi32>
          %parallel_loop3A_165 = arith.addi %parallel_loop3A_135, %parallel_loop3A_164 : vector<16xi32>
          %parallel_loop3A_166 = arith.constant 1 : i32
          %parallel_loop3A_167 = vector.broadcast %parallel_loop3A_166 : i32 to vector<16xi32>
          %parallel_loop3A_168 = arith.addi %parallel_loop3A_165, %parallel_loop3A_167 : vector<16xi32>
          %parallel_loop3A_169 = tpu.vector_load_idx %arg5[%parallel_loop3A_168] : memref<100352xf32, #tpu.memory_space<vmem>>[vector<16xi32>], vector<16xf32>,
          %parallel_loop3A_170 = arith.subf %parallel_loop3A_158, %parallel_loop3A_154 : vector<16xf32>
          %parallel_loop3A_171 = arith.mulf %parallel_loop3A_141, %parallel_loop3A_170 : vector<16xf32>
          %parallel_loop3A_172 = arith.addf %parallel_loop3A_154, %parallel_loop3A_171 : vector<16xf32>
          %parallel_loop3A_173 = arith.subf %parallel_loop3A_169, %parallel_loop3A_162 : vector<16xf32>
          %parallel_loop3A_174 = arith.mulf %parallel_loop3A_141, %parallel_loop3A_173 : vector<16xf32>
          %parallel_loop3A_175 = arith.addf %parallel_loop3A_162, %parallel_loop3A_174 : vector<16xf32>
          %parallel_loop3A_176 = arith.subf %parallel_loop3A_175, %parallel_loop3A_172 : vector<16xf32>
          %parallel_loop3A_177 = arith.mulf %parallel_loop3A_147, %parallel_loop3A_176 : vector<16xf32>
          %parallel_loop3A_178 = arith.addf %parallel_loop3A_172, %parallel_loop3A_177 : vector<16xf32>
          %parallel_loop3A_179 = arith.mulf %parallel_loop3A_153, %parallel_loop3A_178 : vector<16xf32>
          %parallel_loop3A_180 = arith.constant 1568 : i32
          %parallel_loop3A_181 = arith.muli %rem3A_103, %parallel_loop3A_180 : i32
          %parallel_loop3A_182 = arith.addi %parallel_loop3A_181, %parallel_loop3A_130 : i32
          %parallel_loop3A_183 = arith.index_cast %parallel_loop3A_182 : i32 to index
          %parallel_loop3A_184 = tpu.vector_load %arg7[%parallel_loop3A_183] {strides = array<i32>} : memref<3136xf32, #tpu.memory_space<vmem>>, vector<16xf32>,
          tpu.vector_store %arg7[%parallel_loop3A_183], %parallel_loop3A_179 {strides = array<i32>} : memref<3136xf32, #tpu.memory_space<vmem>>, vector<16xf32>,
        } {sc.loop_unroll_factor = 7 : i64, sc.parallel_access}
        %mul3A_114 = arith.constant 1568 : i32
        %mul3A_115 = arith.muli %rem3A_103, %mul3A_114 : i32
        %mul3A_116 = arith.constant 12 : i32
        %mul3A_117 = arith.muli %add3A, %mul3A_116 : i32
        %add3A_118 = arith.addi %mul3A_117, %scan3A_58 : i32
        %mul3A_119 = arith.constant 50176 : i32
        %mul3A_120 = arith.muli %add3A_118, %mul3A_119 : i32
        %mul3A_121 = arith.constant 1568 : i32
        %mul3A_122 = arith.muli %scan3A_81, %mul3A_121 : i32
        %add3A_123 = arith.addi %mul3A_120, %mul3A_122 : i32
        %dma_start3A_124 = tpu.memref_slice %arg7[%mul3A_115] : memref<3136xf32, #tpu.memory_space<vmem>> -> memref<1568xf32, #tpu.memory_space<vmem>>
        %dma_start3A_125 = tpu.memref_slice %arg4[%add3A_123] : memref<19267584xf32, #tpu.memory_space<hbm>> -> memref<1568xf32, #tpu.memory_space<hbm>>
        %dma_start3A_126 = tpu.memref_slice %arg11[%rem3A_103] : memref<2x!tpu.dma_semaphore, #tpu.memory_space<semaphore_mem>> -> memref<1x!tpu.dma_semaphore, #tpu.memory_space<semaphore_mem>>
        %dma_start3A_127 = tpu.memref_squeeze %dma_start3A_126 : memref<1x!tpu.dma_semaphore, #tpu.memory_space<semaphore_mem>> -> memref<!tpu.dma_semaphore, #tpu.memory_space<semaphore_mem>>
        %dma_start3A_128 = tpu.memref_slice %arg4[%add3A_123] : memref<19267584xf32, #tpu.memory_space<hbm>> -> memref<1568xf32, #tpu.memory_space<hbm>>
        %dma_start3A_129 = tpu.memref_slice %arg7[%mul3A_115] : memref<3136xf32, #tpu.memory_space<vmem>> -> memref<1568xf32, #tpu.memory_space<vmem>>
        tpu.enqueue_dma source(%dma_start3A_129 : memref<1568xf32, #tpu.memory_space<vmem>>) target(%dma_start3A_128 : memref<1568xf32, #tpu.memory_space<hbm>>) target_semaphore(%dma_start3A_127 : memref<!tpu.dma_semaphore, #tpu.memory_space<semaphore_mem>>)
      }
      %scan3A_80 = arith.constant 32 : i32
    }
    %scan3A_36 = arith.constant 12 : i32
    %dma_wait3A = arith.constant 0 : i32
    %dma_wait3A_37 = arith.constant 0 : i32
    %dma_wait3A_38 = tpu.memref_slice %arg7[%dma_wait3A_37] : memref<3136xf32, #tpu.memory_space<vmem>> -> memref<1568xf32, #tpu.memory_space<vmem>>
    %dma_wait3A_39 = arith.constant 0 : i32
    %dma_wait3A_40 = tpu.memref_slice %arg4[%dma_wait3A_39] : memref<19267584xf32, #tpu.memory_space<hbm>> -> memref<1568xf32, #tpu.memory_space<hbm>>
    %dma_wait3A_41 = tpu.memref_slice %arg11[%dma_wait3A] : memref<2x!tpu.dma_semaphore, #tpu.memory_space<semaphore_mem>> -> memref<1x!tpu.dma_semaphore, #tpu.memory_space<semaphore_mem>>
    %dma_wait3A_42 = tpu.memref_squeeze %dma_wait3A_41 : memref<1x!tpu.dma_semaphore, #tpu.memory_space<semaphore_mem>> -> memref<!tpu.dma_semaphore, #tpu.memory_space<semaphore_mem>>
    %dma_wait3A_43 = arith.constant 0 : i32
    %dma_wait3A_44 = tpu.memref_slice %arg4[%dma_wait3A_43] : memref<19267584xf32, #tpu.memory_space<hbm>> -> memref<1568xf32, #tpu.memory_space<hbm>>
    %dma_wait3A_45 = arith.constant 0 : i32
    %dma_wait3A_46 = tpu.memref_slice %arg7[%dma_wait3A_45] : memref<3136xf32, #tpu.memory_space<vmem>> -> memref<1568xf32, #tpu.memory_space<vmem>>
    tpu.wait_dma2 semaphore(%dma_wait3A_42 : memref<!tpu.dma_semaphore, #tpu.memory_space<semaphore_mem>>) src(%dma_wait3A_46 : memref<1568xf32, #tpu.memory_space<vmem>>) dst(%dma_wait3A_44 : memref<1568xf32, #tpu.memory_space<hbm>>)
    %dma_wait3A_47 = arith.constant 1 : i32
    %dma_wait3A_48 = arith.constant 1568 : i32
    %dma_wait3A_49 = tpu.memref_slice %arg7[%dma_wait3A_48] : memref<3136xf32, #tpu.memory_space<vmem>> -> memref<1568xf32, #tpu.memory_space<vmem>>
    %dma_wait3A_50 = arith.constant 0 : i32
    %dma_wait3A_51 = tpu.memref_slice %arg4[%dma_wait3A_50] : memref<19267584xf32, #tpu.memory_space<hbm>> -> memref<1568xf32, #tpu.memory_space<hbm>>
    %dma_wait3A_52 = tpu.memref_slice %arg11[%dma_wait3A_47] : memref<2x!tpu.dma_semaphore, #tpu.memory_space<semaphore_mem>> -> memref<1x!tpu.dma_semaphore, #tpu.memory_space<semaphore_mem>>
    %dma_wait3A_53 = tpu.memref_squeeze %dma_wait3A_52 : memref<1x!tpu.dma_semaphore, #tpu.memory_space<semaphore_mem>> -> memref<!tpu.dma_semaphore, #tpu.memory_space<semaphore_mem>>
    %dma_wait3A_54 = arith.constant 0 : i32
    %dma_wait3A_55 = tpu.memref_slice %arg4[%dma_wait3A_54] : memref<19267584xf32, #tpu.memory_space<hbm>> -> memref<1568xf32, #tpu.memory_space<hbm>>
    %dma_wait3A_56 = arith.constant 1568 : i32
    %dma_wait3A_57 = tpu.memref_slice %arg7[%dma_wait3A_56] : memref<3136xf32, #tpu.memory_space<vmem>> -> memref<1568xf32, #tpu.memory_space<vmem>>
    tpu.wait_dma2 semaphore(%dma_wait3A_53 : memref<!tpu.dma_semaphore, #tpu.memory_space<semaphore_mem>>) src(%dma_wait3A_57 : memref<1568xf32, #tpu.memory_space<vmem>>) dst(%dma_wait3A_55 : memref<1568xf32, #tpu.memory_space<hbm>>)
    return
  }
}

</mosaic_0001>

<sc_bundles>
// kernel: kernel.3.cloned.1.call-start
scs
__scs_entry_jumppad:
0x0: {  	(pc) =	sbr.rel $0x88, $3  }
0x1: {  	(tag) =	ssettag $0x0;
	lr =	simm.s32 $0x1  }
0x2: {  	[smem:$0x3F9F] =	sst lr;
	_ =	strace $0xD0000000  }
0x3: {  	_ = 	snop  }
0x4: {  	_ = 	snop  }
0x5: {  	_ = 	snop  }
0x6: {  	_ = 	snop  }
0x7: {  	_ = 	snop  }
__scs_overlays_trampoline_lowered:
0x8: {  	[smem:$0x3FAE] =	sst s0  }
0x9: {  	[smem:$0x3FAF] =	sst s1  }
0xa: {  	[smem:$0x3FB0] =	sst s2  }
0xb: {  	[smem:$0x3FB1] =	sst s3  }
0xc: {  	[smem:$0x3FB2] =	sst s4  }
0xd: {  	[smem:$0x3FB3] =	sst s5  }
0xe: {  	[smem:$0x3FB4] =	sst s6  }
0xf: {  	[smem:$0x3FB5] =	sst s7  }
0x10: {  	[smem:$0x3FB6] =	sst s8  }
0x11: {  	[smem:$0x3FB7] =	sst s9;
	s0 =	simm.s32 @!p0 $0x0  }
0x12: {  	s1 =	sld [smem:$0x3F9D];
	s0 =	simm.s32 @p0 $0x1  }
0x13: {  	[smem:$0x3FB8] =	sst s0;
	s0 =	simm.s32 @!p1 $0x0  }
0x14: {  	s2 =	sld [smem:$0x3F9C];
	s0 =	simm.s32 @p1 $0x1  }
0x15: {  	[smem:$0x3FB9] =	sst s0;
	s0 =	simm.s32 @!p2 $0x0  }
0x16: {  	s3 =	sld [smem:$0x3FDB];
	s0 =	simm.s32 @p2 $0x1  }
0x17: {  	s4 =	simm.s32 $0x1BF5;
	[smem:$0x3FBB] =	sst s0  }
0x18: {  	s0 =	sld [smem:$0x3F9E];
	_ =	swait.ge [sflag:s4], $0x0  }
0x19: {  	s7 =	sld [smem:$0x3F9F]  }
0x1a: {  	s8 =	sadd.s32 $0xFFFFE003, lr  }
0x1b: {  	s9 =	sadd.s32 $0xFFFFFEF7, lr;
	s5 =	simm.s32 $0xFFFFFFFF;
	p2 =	slt.u32 s8, $0xFFFFF086  }
0x1c: {  	p1 =	slt.u32 s9, $0xF7A;
	s5 =	simm.s32 @!p2 $0x0  }
0x1d: {  	s5 =	simm.s32 @p1 $0x1;
	p0 =	seq.s32 s7, s2  }
0x1e: {  	s7 =	smul.u32 @!p0 $0xF7A, s2;
	p2 =	seq.s32 @!p0 s5, $0x0  }
0x1f: {  	s9 =	smul.u32 $0xF7A, s1;
	s8 =	simm.s32 @!p0 $0x1BF5;
	p2 =	por !p2, p0  }
0x20: {  	[sflag:s8] =	ssyncset.s32 @!p0 $0xFFFFF086;
	s6 =	sadd.s32 @!p0 s3, s7;
	s7 =	simm.s32 @!p0 $0x108  }
0x21: {  	s3 =	sadd.s32 s3, s9;
	s6 =	sadd.s32 @!p0 $0x88, s6;
	s7 =	simm.s32 @p2 $0x1082  }
0x22: {  	[simem:s7], [sflag:s8] =	dma.local @!p0 [hbm:s6], $0xF7A  }
0x23: {  	s9 =	sor.u32 $0xD0000000, s2;
	s6 =	simm.s32 $0x108;
	_ =	swait.ge @!p0 [sflag:s8], $0x0  }
0x24: {  	s3 =	sadd.s32 $0x88, s3;
	s6 =	simm.s32 @!p1 $0x1082;
	[sflag:s4] =	ssyncset.s32 $0xFFFFF086  }
0x25: {  	[simem:s6], [sflag:s4] =	dma.local [hbm:s3], $0xF7A  }
0x26: {  	[smem:$0x3F9F] =	sst s1;
	(tag) =	ssettag s2;
	_ =	strace s9  }
0x27: {  	s1 =	sld [smem:$0x3FAF]  }
0x28: {  	s2 =	sld [smem:$0x3FB0]  }
0x29: {  	s4 =	sld [smem:$0x3FB2]  }
0x2a: {  	p0 =	seq.s32 s5, $0x0;
	s5 =	sld [smem:$0x3FB3]  }
0x2b: {  	s6 =	sld [smem:$0x3FB4]  }
0x2c: {  	s7 =	sld [smem:$0x3FB5]  }
0x2d: {  	s3 =	simm.s32 $0x108;
	s8 =	sld [smem:$0x3FB6]  }
0x2e: {  	s3 =	simm.s32 @!p0 $0x1082;
	s9 =	sld [smem:$0x3FB7]  }
0x2f: {  	lr =	sadd.s32 s0, s3;
	s0 =	sld [smem:$0x3FAE]  }
0x30: {  	s3 =	sld [smem:$0x3FB1]  }
0x31: {  	[smem:$0x3FBA] =	sst s10  }
0x32: {  	s10 =	sld [smem:$0x3FB8];
	_ =	sdelay $0x3  }
0x33: {  	p0 =	seq.s32 s10, $0x1;
	s10 =	sld [smem:$0x3FBA];
	_ =	sdelay $0x3  }
0x34: {  	[smem:$0x3FBA] =	sst s10  }
0x35: {  	s10 =	sld [smem:$0x3FB9];
	_ =	sdelay $0x3  }
0x36: {  	p1 =	seq.s32 s10, $0x1;
	s10 =	sld [smem:$0x3FBA];
	_ =	sdelay $0x3  }
0x37: {  	[smem:$0x3FBA] =	sst s10  }
0x38: {  	s10 =	sld [smem:$0x3FBB]  }
0x39: {  	_ = 	snop;
	(pc) =	sbr.ind lr, $3  }
0x3a: {  	_ = 	snop  }
0x3b: {  	_ = 	snop  }
0x3c: {  	p2 =	seq.s32 s10, $0x1;
	s10 =	sld [smem:$0x3FBA]  }
0x3d: {  	_ =	shalt  }
0x3e: {  	_ =	shalt  }
0x3f: {  	_ =	shalt  }
0x40: {  	_ =	shalt  }
0x41: {  	_ =	shalt  }
0x42: {  	_ =	shalt  }
0x43: {  	_ =	shalt  }
0x44: {  	_ =	shalt  }
0x45: {  	_ =	shalt  }
0x46: {  	_ =	shalt  }
0x47: {  	_ =	shalt  }
0x48: {  	_ =	shalt  }
0x49: {  	_ =	shalt  }
0x4a: {  	_ =	shalt  }
0x4b: {  	_ =	shalt  }
0x4c: {  	_ =	shalt  }
0x4d: {  	_ =	shalt  }
0x4e: {  	_ =	shalt  }
0x4f: {  	_ =	shalt  }
0x50: {  	_ =	shalt  }
0x51: {  	_ =	shalt  }
0x52: {  	_ =	shalt  }
0x53: {  	_ =	shalt  }
0x54: {  	_ =	shalt  }
0x55: {  	_ =	shalt  }
0x56: {  	_ =	shalt  }
0x57: {  	_ =	shalt  }
0x58: {  	_ =	shalt  }
0x59: {  	_ =	shalt  }
0x5a: {  	_ =	shalt  }
0x5b: {  	_ =	shalt  }
0x5c: {  	_ =	shalt  }
0x5d: {  	_ =	shalt  }
0x5e: {  	_ =	shalt  }
0x5f: {  	_ =	shalt  }
0x60: {  	_ =	shalt  }
0x61: {  	_ =	shalt  }
0x62: {  	_ =	shalt  }
0x63: {  	_ =	shalt  }
0x64: {  	_ =	shalt  }
0x65: {  	_ =	shalt  }
0x66: {  	_ =	shalt  }
0x67: {  	_ =	shalt  }
0x68: {  	_ =	shalt  }
0x69: {  	_ =	shalt  }
0x6a: {  	_ =	shalt  }
0x6b: {  	_ =	shalt  }
0x6c: {  	_ =	shalt  }
0x6d: {  	_ =	shalt  }
0x6e: {  	_ =	shalt  }
0x6f: {  	_ =	shalt  }
0x70: {  	_ =	shalt  }
0x71: {  	_ =	shalt  }
0x72: {  	_ =	shalt  }
0x73: {  	_ =	shalt  }
0x74: {  	_ =	shalt  }
0x75: {  	_ =	shalt  }
0x76: {  	_ =	shalt  }
0x77: {  	_ =	shalt  }
0x78: {  	_ =	shalt  }
0x79: {  	_ =	shalt  }
0x7a: {  	_ =	shalt  }
0x7b: {  	_ =	shalt  }
0x7c: {  	_ =	shalt  }
0x7d: {  	_ =	shalt  }
0x7e: {  	_ =	shalt  }
0x7f: {  	_ =	shalt  }
0x80: {  	_ =	shalt  }
0x81: {  	_ =	shalt  }
0x82: {  	_ =	shalt  }
0x83: {  	_ =	shalt  }
0x84: {  	_ =	shalt  }
0x85: {  	_ =	shalt  }
0x86: {  	_ =	shalt  }
0x87: {  	_ =	shalt  }
.Lfunc_end0:
.L_simem_size_0:
called_computation_lowered:
.L_overlay_start_0:
0x88: {  	s2 =	sld [smem:$0x3FD9]  }
0x89: {  	s3 =	sld [smem:$0x3FFE];
	_ =	sdelay $0x1  }
0x8a: {  	s1 =	srdreg.scid  }
0x8b: {  	s0 =	sand.u32 $0x1, s1  }
0x8c: {  	s17 =	sshll.u32 s0, $0xA;
	s2 =	sadd.s32 s3, s2  }
0x8d: {  	s2 =	sadd.s32 s2, s17  }
0x8e: {  	[smem:$0x3FC6] =	sst s2  }
0x8f: {  	_ = 	snop  }
0x90: {  	s2 =	sld [smem:$0x3FD0];
	(tm) =	ssettm $0x1  }
0x91: {  	s18 =	sld [smem:$0x3FFB];
	_ =	sdelay $0x3  }
0x92: {  	_ =	strace s18  }
0x93: {  	s3 =	sld [smem:$0x3FFC];
	_ =	sdelay $0x3  }
0x94: {  	_ =	strace s3  }
0x95: {  	s3 =	sld [smem:$0x3FFD];
	_ =	sdelay $0x3  }
0x96: {  	_ =	strace s3  }
0x97: {  	_ =	strace $0x8FFFFFFF  }
0x98: {  	s19 =	sld [smem:$0x3FDB];
	_ =	sdelay $0x1  }
0x99: {  	s4 =	simm.s32 $_scs_section_size  }
0x9a: {  	s5 =	simm.s32 $_size__tile_overlayer_lowered;
	s6 =	simm.s32 $_tile_overlayer_lowered  }
0x9b: {  	s22 =	simm.s32 $0x1BFF;
	s21 =	sshll.u32 s6, $0x1;
	s3 =	sadd.s32 s4, s19  }
0x9c: {  	s7 =	simm.s32 $0x0;
	s20 =	sshll.u32 s5, $0x1;
	s5 =	sadd.s32 s21, s3  }
0x9d: {  	[timem:s7], [sflag:s22] =	dma.local [hbm:s5], s20  }
0x9e: {  	_ =	swait.ge [sflag:s22], s20  }
0x9f: {  	s4 =	ssub.s32 $0x0, s20;
	[sflag:s22] =	ssyncset.done $0x0  }
0xa0: {  	[sflag:s22] =	ssyncadd.s32 s4;
	_ =	sdelay $0x1  }
0xa1: {  	s23 =	simm.s32 $0x1B8B  }
0xa2: {  	_ =	swait.ge [sflag:s23], $0x1  }
0xa3: {  	[sflag:s23] =	ssyncset.done $0x0  }
0xa4: {  	s25 =	simm.s32 $0x1B8E;
	s24 =	sld [smem:$0x3FFE];
	[sflag:s23] =	ssyncadd.s32 $0xFFFFFFFF  }
0xa5: {  	s26 =	simm.s32 $execute0_lowered;
	[smem:$0x3FD2] =	sst s25  }
0xa6: {  	s5 =	sshll.u32 s26, $0x1;
	_ =	strace $0x80000046;
	[dreg:$0x1] =	wrdreg $0xFFFFFFFF  }
0xa7: {  	s28 =	simm.s32 $_size_execute0_lowered;
	s3 =	sadd.s32 s3, s5;
	[dreg:$0x0] =	wrdreg $0x0  }
0xa8: {  	s5 =	sshll.u32 s28, $0x1;
	[dreg:$0x2] =	wrdreg s3  }
0xa9: {  	[dreg:$0x3] =	wrdreg s5  }
0xaa: {  	[dreg:$0x4] =	wrdreg $0xC0  }
0xab: {  	_ =	task [dreg:s7], $0x5FFFF  }
0xac: {  	[dreg:$0x1] =	wrdreg $0xFFFFFFFF  }
0xad: {  	[dreg:$0x0] =	wrdreg $0x60  }
0xae: {  	[dreg:$0x2] =	wrdreg s24  }
0xaf: {  	[dreg:$0x3] =	wrdreg s2  }
0xb0: {  	[dreg:$0x4] =	wrdreg $0x1C5800  }
0xb1: {  	[dreg:$0x5] =	wrdreg $0x9  }
0xb2: {  	_ =	task.clear_ibuf [dreg:s7], $0x6FFFF;
	_ =	strace $0x90000046  }
0xb3: {  	s29 =	simm.s32 $0x9;
	_ =	strace $0x80000048  }
0xb4: {  	_ =	swait.ge [sflag:s29], $0x1  }
0xb5: {  	[sflag:s29] =	ssyncadd.s32 $0xFFFFFFFF  }
0xb6: {  	_ =	strace $0x90000048  }
0xb7: {  	_ =	sfence  }
0xb8: {  	s30 =	sld [smem:$0x0];
	_ =	sdelay $0x2  }
0xb9: {  	s31 =	sshll.u32 s1, $0xD;
	s1 =	sshrl.u32 s1, $0x2  }
0xba: {  	s3 =	sand.u32 $0x4000, s31;
	s1 =	sadd.s32 s1, s30  }
0xbb: {  	s0 =	sor.u32 s3, s0;
	s1 =	sshll.u32 s1, $0x11  }
0xbc: {  	s0 =	sor.u32 s1, s0  }
0xbd: {  	s0 =	sadd.s32 $0x8F2B, s0  }
0xbe: {  	[sflag:s0] =	ssyncadd.remote.s32 $0x1  }
0xbf: {  	_ =	sfence.sel $0xFFFF  }
0xc0: {  	[dreg:$0x0] =	wrdreg $0xFFFFFFFF;
	(pc) =	sbr.abs _section_cstart, $3  }
0xc1: {  	[dreg:$0x1] =	wrdreg $0xFFFFFFFF  }
0xc2: {  	_ =	task.clear_ibuf [dreg:s7], $0x2FFFF;
	_ =	strace $0x9FFFFFFF  }
0xc3: {  	(tm) =	ssettm $0x7FFFFFFF  }
tec
execute0_lowered:
.L_overlay_start_1:
0x0: {  	(tag) =	ssettag $0x1  }
0x1: {  	s6 =	rddreg [dreg:$0x0]  }
0x2: {  	s0 =	rddreg [dreg:$0x1]  }
0x3: {  	s2 =	rddreg [dreg:$0x2];
	s3 =	srdreg.scid;
	s4 =	simm.s32 $0x0  }
0x4: {  	s1 =	stileid.u32;
	s14 =	simm.s32 $0x7;
	s15 =	simm.s32 $0x18800  }
0x5: {  	s9 =	sand.u32 $0x1, s3;
	[smem:$0x7FF] =	sst s4;
	s3 =	sadd.s32 $0x400, s6  }
0x6: {  	s6 =	sadd.s32 $0x6600, s6;
	s5 =	sshll.u32 s9, $0x4;
	_ =	strace $0x80000047  }
0x7: {  	s8 =	ssub.s32 $0x2, s9;
	s9 =	sshll.u32 s9, $0x5;
	s7 =	sor.u32 s1, s5  }
0x8: {  	[dreg:$0x4] =	wrdreg s3;
	s11 =	sshrl.u32 s8, $0x1;
	s10 =	smul.u32 $0x12600, s7  }
0x9: {  	v0 =	vlaneseq.u32;
	s1 =	sshll.u32 s1, $0x1;
	s5 =	smul.u32 $0xC, s7;
	s12 =	ssub.s32 s8, s11  }
0xa: {  	v0 =	vmul.u32 $0x2, v0;
	[dreg:$0x5] =	wrdreg s1;
	s31 =	smax.u32 s12, $0x1;
	s0 =	sadd.s32 s0, s10  }
0xb: {  	s8 =	smov.u32 s5;
	s11 =	sor.u32 $0x1, s5;
	[dreg:$0x7] =	wrdreg s31  }
0xc: {  	v2 =	vimm.f32 $0.0e+00;
	v3 =	vimm.s32 $0x0;
	v1 =	vor.u32 $0x1, v0;
	s5 =	simm.s32 $0x0;
	[dreg:$0x6] =	wrdreg s0;
	s0 =	simm.s32 $0x1A080  }
.LBB2_1:
0xd: {  	p1 =	por $0x1, $0x1;
	s19 =	simm.s32 $0x0  }
.LBB2_2:
0xe: {  	s19 =	sor.u32 s1, s19  }
0xf: {  	s20 =	sor.u32 s9, s19  }
0x10: {  	s20 =	smul.u32 $0x188, s20;
	_ =	sdelay $0x1  }
0x11: {  	s20 =	sadd.s32 s3, s20  }
0x12: {  	[tilespmem:s0], [sflag:$0x7] =	stream.linear.gather [hbm4b:s20+s4], $0xC40, $0x38;
	[tilespmem:$0x1F680] =	vst v63  }
0x13: {  	_ =	swait.ge [sflag:s14], $0xC40  }
0x14: {  	p0 =	por p1, p1;
	s21 =	simm.s32 $0x1880;
	[sflag:s14] =	ssyncset.done $0x0  }
0x15: {  	s22 =	simm.s32 $0x19440;
	s20 =	simm.s32 $0xFFFFFF90;
	[sflag:s14] =	ssyncadd.s32 $0xFFFFF3C0  }
.LBB2_3:
0x16: {  	v4 =	vor.u32 s21, v0;
	_ =	sdelay $0x1  }
0x17: {  	v5 =	vor.u32 s21, v1;
	s23 =	sadd.s32 $0x20, s21  }
0x18: {  	v7 =	vor.u32 s23, v0  }
0x19: {  	s25 =	sadd.s32 $0x40, s21;
	v10 =	vor.u32 s23, v1  }
0x1a: {  	v16 =	vor.u32 s25, v1;
	v4 =	vld.idx.msk [tilespmem:v4+s15+$0x0], $0xffff;
	_ =	sdelay $0x1  }
0x1b: {  	v5 =	vld.idx.msk [tilespmem:v5+s15+$0x0], $0xffff  }
0x1c: {  	v7 =	vld.idx.msk [tilespmem:v7+s15+$0x0], $0xffff  }
0x1d: {  	s26 =	sadd.s32 $0x60, s21;
	v10 =	vld.idx.msk [tilespmem:v10+s15+$0x0], $0xffff  }
0x1e: {  	v62 =	vor.u32 s26, v0;
	v16 =	vld.idx.msk [tilespmem:v16+s15+$0x0], $0xffff;
	v4 =	vadd.f32 $1.000000000e+00, v4;
	_ =	sdelay $0x1  }
0x1f: {  	v14 =	vor.u32 s25, v0;
	v4 =	vmul.f32 $2.240000000e+02, v4  }
0x20: {  	v5 =	vadd.f32 $1.000000000e+00, v5;
	v7 =	vadd.f32 $1.000000000e+00, v7  }
0x21: {  	v10 =	vadd.f32 $1.000000000e+00, v10;
	v4 =	vadd.f32 $-1.000000000e+00, v4  }
0x22: {  	v61 =	vadd.f32 $1.000000000e+00, v16;
	v16 =	vld.idx.msk [tilespmem:v62+s15+$0x0], $0xffff;
	v5 =	vmul.f32 $2.240000000e+02, v5;
	v7 =	vmul.f32 $2.240000000e+02, v7  }
0x23: {  	v10 =	vmul.f32 $2.240000000e+02, v10;
	v4 =	vmul.f32 $5.000000000e-01, v4  }
0x24: {  	v50 =	vld.idx.msk [tilespmem:v14+s15+$0x0], $0xffff;
	v14 =	vmul.f32 $2.240000000e+02, v61;
	v5 =	vadd.f32 $-1.000000000e+00, v5  }
0x25: {  	v7 =	vadd.f32 $-1.000000000e+00, v7;
	v45 =	vadd.f32 $-1.000000000e+00, v10;
	v4 =	vmax.f32 v4, $-8.000000000e+00  }
0x26: {  	v14 =	vadd.f32 $-1.000000000e+00, v14;
	v5 =	vmul.f32 $5.000000000e-01, v5;
	v4 =	vmin.f32 v4, $2.320000000e+02  }
0x27: {  	v16 =	vadd.f32 $1.000000000e+00, v16;
	v7 =	vmul.f32 $5.000000000e-01, v7;
	v6 =	vtrunc.f32 v4  }
0x28: {  	v24 =	vor.u32 s26, v1;
	v47 =	vmul.f32 $5.000000000e-01, v45;
	v6 =	vcvt.f32.s32 v6  }
0x29: {  	v14 =	vmul.f32 $5.000000000e-01, v14;
	v5 =	vmax.f32 v5, $-8.000000000e+00;
	v16 =	vmul.f32 $2.240000000e+02, v16  }
0x2a: {  	v5 =	vmin.f32 v5, $2.320000000e+02;
	v7 =	vmax.f32 v7, $-8.000000000e+00;
	v8 =	vcvt.s32.f32 v6  }
0x2b: {  	v23 =	vmax.f32 v14, $-8.000000000e+00;
	v42 =	vmin.f32 v7, $2.320000000e+02;
	v16 =	vadd.f32 $-1.000000000e+00, v16  }
0x2c: {  	v39 =	vtrunc.f32 v5;
	v44 =	vtrunc.f32 v42;
	vm0 =	vlt.f32 v4, v8  }
0x2d: {  	v16 =	vmul.f32 $5.000000000e-01, v16;
	v9 =	vsel vm0, $0x3F800000, v2;
	v38 =	vsel vm0, $0xFFFFFFFF, v3  }
0x2e: {  	v8 =	vsub.f32 v8, v9;
	v6 =	vadd.s32 v6, v38;
	v9 =	vcvt.f32.s32 v39  }
0x2f: {  	v39 =	vmax.f32 v16, $-8.000000000e+00;
	vm11 =	vgt.s32 v6, $0x0;
	vm12 =	veq.s32 v6, $0xFFFFFFFF  }
0x30: {  	vm1 =	veq.s32 v6, $0xDF;
	v4 =	vsub.f32 v4, v8;
	v11 =	vcvt.s32.f32 v9  }
0x31: {  	v16 =	vmin.f32 v39, $2.320000000e+02;
	v40 =	vnsel vm11, $0x0, v6;
	v6 =	vadd.s32 $0xFFFFFF20, v6  }
0x32: {  	v8 =	vmin.u32 v40, $0xDE;
	v41 =	vsub.f32 $1.000000000e+00, v4;
	vm3 =	vlt.f32 v5, v11  }
0x33: {  	vm2 =	vlt.u32 v6, $0xFFFFFF1F;
	v12 =	vsel vm3, $0x3F800000, v2;
	v13 =	vsel vm3, $0xFFFFFFFF, v3  }
0x34: {  	s28 =	sadd.s32 $0x80, s21;
	v6 =	vnsel vm1, $0x3F800000, v41;
	v11 =	vsub.f32 v11, v12;
	v9 =	vadd.s32 v9, v13  }
0x35: {  	v13 =	vcvt.f32.s32 v44;
	v41 =	vor.u32 s28, v0;
	v6 =	vsel vm12, v4, v6  }
0x36: {  	vm13 =	vgt.s32 v9, $0x0;
	vm14 =	veq.s32 v9, $0xFFFFFFFF;
	vm15 =	veq.s32 v9, $0xDF  }
0x37: {  	v4 =	vsel vm1, $0x3F800000, v4;
	v6 =	vsel vm2, $0x0, v6;
	v11 =	vsub.f32 v5, v11  }
0x38: {  	v5 =	vnsel vm13, $0x0, v9;
	v9 =	vadd.s32 $0xFFFFFF20, v9;
	v46 =	vcvt.s32.f32 v13  }
0x39: {  	v4 =	vsel vm12, $0x0, v4;
	v5 =	vmin.u32 v5, $0xDE;
	vm4 =	vlt.u32 v9, $0xFFFFFF1F  }
0x3a: {  	v43 =	vsub.f32 $1.000000000e+00, v11;
	v5 =	vmul.u32 $0xE0, v5;
	vm6 =	vlt.f32 v42, v46  }
0x3b: {  	v48 =	vsel vm15, $0x3F800000, v11;
	v49 =	vsel vm6, $0x3F800000, v2;
	v51 =	vsel vm6, $0xFFFFFFFF, v3  }
0x3c: {  	v7 =	vnsel vm15, $0x3F800000, v43;
	v5 =	vadd.s32 v8, v5;
	v10 =	vadd.s32 v13, v51  }
0x3d: {  	v9 =	vsub.f32 v46, v49;
	v7 =	vsel vm14, v11, v7;
	vm7 =	vgt.s32 v10, $0x0  }
0x3e: {  	v11 =	vadd.f32 $1.000000000e+00, v50;
	vm8 =	veq.s32 v10, $0xFFFFFFFF;
	vm9 =	veq.s32 v10, $0xDF  }
0x3f: {  	v15 =	vsel vm4, $0x0, v7;
	v7 =	vmax.f32 v47, $-8.000000000e+00;
	v9 =	vsub.f32 v42, v9  }
0x40: {  	v55 =	vnsel vm7, $0x0, v10;
	v52 =	vmin.f32 v7, $2.320000000e+02;
	v11 =	vmul.f32 $2.240000000e+02, v11  }
0x41: {  	v10 =	vadd.s32 $0xFFFFFF20, v10;
	v42 =	vtrunc.f32 v16;
	v53 =	vtrunc.f32 v52  }
0x42: {  	v56 =	vsub.f32 $1.000000000e+00, v9;
	v54 =	vcvt.f32.s32 v53;
	v11 =	vadd.f32 $-1.000000000e+00, v11  }
0x43: {  	v7 =	vsel vm14, $0x0, v48;
	v6 =	vmul.f32 v15, v6;
	v12 =	vmin.u32 v55, $0xDE  }
0x44: {  	s29 =	sadd.s32 $0xA0, s21;
	v57 =	vnsel vm9, $0x3F800000, v56;
	v13 =	vcvt.s32.f32 v54;
	v11 =	vmul.f32 $5.000000000e-01, v11  }
0x45: {  	vm11 =	vlt.u32 v10, $0xFFFFFF1F;
	v56 =	vor.u32 s29, v0;
	v10 =	vsel vm8, v9, v57  }
0x46: {  	v9 =	vsel vm9, $0x3F800000, v9;
	vm10 =	vlt.f32 v52, v13;
	v11 =	vmax.f32 v11, $-8.000000000e+00  }
0x47: {  	v58 =	vsel vm10, $0xFFFFFFFF, v3;
	v17 =	vsel vm10, $0x3F800000, v2;
	v18 =	vmin.f32 v11, $2.320000000e+02  }
0x48: {  	v8 =	vadd.s32 v54, v58;
	v13 =	vsub.f32 v13, v17;
	v11 =	vtrunc.f32 v18  }
0x49: {  	v59 =	vsel vm11, $0x0, v10;
	vm12 =	vgt.s32 v8, $0x0;
	v19 =	vcvt.f32.s32 v11  }
0x4a: {  	vm13 =	veq.s32 v8, $0xFFFFFFFF;
	v60 =	vnsel vm12, $0x0, v8;
	v13 =	vsub.f32 v52, v13  }
0x4b: {  	vm14 =	veq.s32 v8, $0xDF;
	v10 =	vmin.u32 v60, $0xDE;
	v22 =	vcvt.s32.f32 v19  }
0x4c: {  	v8 =	vadd.s32 $0xFFFFFF20, v8;
	v63 =	vsub.f32 $1.000000000e+00, v13;
	v10 =	vmul.u32 $0xE0, v10  }
0x4d: {  	vm15 =	vlt.u32 v8, $0xFFFFFF1F;
	v25 =	vsel vm14, $0x3F800000, v13;
	vm7 =	vlt.f32 v18, v22  }
0x4e: {  	v17 =	vnsel vm14, $0x3F800000, v63;
	v11 =	vadd.s32 v12, v10;
	v10 =	vsel vm8, $0x0, v9  }
0x4f: {  	v26 =	vsel vm7, $0x3F800000, v2;
	v9 =	vmin.f32 v23, $2.320000000e+02;
	v12 =	vsel vm13, $0x0, v25  }
0x50: {  	v31 =	vld.idx.msk [tilespmem:v24+s15+$0x0], $0xffff;
	v20 =	vsel vm7, $0xFFFFFFFF, v3;
	v25 =	vor.u32 s28, v1;
	v21 =	vsel vm13, v13, v17  }
0x51: {  	v17 =	vsub.f32 v22, v26;
	v27 =	vtrunc.f32 v9;
	v28 =	vadd.s32 v19, v20  }
0x52: {  	v22 =	vcvt.f32.s32 v42;
	v8 =	vsel vm15, $0x0, v21;
	v21 =	vcvt.f32.s32 v27  }
0x53: {  	vm8 =	vgt.s32 v28, $0x0;
	vm9 =	veq.s32 v28, $0xFFFFFFFF;
	v19 =	vadd.s32 $0xFFFFFF20, v28  }
0x54: {  	vm11 =	veq.s32 v28, $0xDF;
	v13 =	vmul.f32 v8, v59;
	v29 =	vsub.f32 v18, v17  }
0x55: {  	v14 =	vnsel vm8, $0x0, v28;
	v18 =	vadd.f32 $1.000000000e+00, v31;
	v24 =	vcvt.s32.f32 v22  }
0x56: {  	vm12 =	vlt.u32 v19, $0xFFFFFF1F;
	v30 =	vcvt.s32.f32 v21;
	v32 =	vsub.f32 $1.000000000e+00, v29  }
0x57: {  	v40 =	vmul.f32 $2.240000000e+02, v18;
	v15 =	vsel vm11, $0x3F800000, v29;
	vm6 =	vlt.f32 v16, v24  }
0x58: {  	vm10 =	vlt.f32 v9, v30;
	v15 =	vsel vm9, $0x0, v15;
	v46 =	vsel vm6, $0x3F800000, v2  }
0x59: {  	v18 =	vld.idx.msk [tilespmem:v41+s15+$0x0], $0xffff;
	v47 =	vsel vm6, $0xFFFFFFFF, v3;
	v33 =	vsel vm10, $0x3F800000, v2;
	v34 =	vnsel vm11, $0x3F800000, v32  }
0x5a: {  	v25 =	vld.idx.msk [tilespmem:v25+s15+$0x0], $0xffff;
	v36 =	vsel vm10, $0xFFFFFFFF, v3;
	v22 =	vadd.s32 v22, v47;
	v8 =	vsub.f32 v30, v33  }
0x5b: {  	s30 =	sadd.s32 $0xC0, s21;
	v35 =	vsel vm9, v29, v34;
	v37 =	vadd.s32 v21, v36;
	vm7 =	vgt.s32 v22, $0x0  }
0x5c: {  	vm8 =	veq.s32 v22, $0xFFFFFFFF;
	vm9 =	veq.s32 v22, $0xDF;
	v34 =	vor.u32 s30, v0  }
0x5d: {  	vm13 =	vgt.s32 v37, $0x0;
	vm14 =	veq.s32 v37, $0xFFFFFFFF;
	vm15 =	veq.s32 v37, $0xDF  }
0x5e: {  	v38 =	vsub.f32 v9, v8;
	v8 =	vsel vm12, $0x0, v35;
	v9 =	vadd.f32 $-1.000000000e+00, v40  }
0x5f: {  	v44 =	vnsel vm13, $0x0, v37;
	v50 =	vadd.f32 $1.000000000e+00, v18;
	v55 =	vadd.f32 $1.000000000e+00, v25;
	v25 =	vld.idx.msk [tilespmem:v56+s15+$0x0], $0xffff  }
0x60: {  	v18 =	vnsel vm7, $0x0, v22;
	v22 =	vadd.s32 $0xFFFFFF20, v22;
	v43 =	vsub.f32 $1.000000000e+00, v38  }
0x61: {  	v35 =	vor.u32 s30, v1;
	v17 =	vmin.u32 v44, $0xDE;
	v23 =	vmul.f32 $5.000000000e-01, v9  }
0x62: {  	vm11 =	vlt.u32 v22, $0xFFFFFF1F;
	v19 =	vsel vm15, $0x3F800000, v38;
	v21 =	vnsel vm15, $0x3F800000, v43  }
0x63: {  	v45 =	vmax.f32 v23, $-8.000000000e+00;
	v23 =	vsub.f32 v24, v46;
	v24 =	vmul.f32 $2.240000000e+02, v55  }
0x64: {  	v34 =	vld.idx.msk [tilespmem:v34+s15+$0x0], $0xffff;
	v9 =	vsel vm14, v38, v21;
	v21 =	vmin.f32 v45, $2.320000000e+02;
	v25 =	vadd.f32 $1.000000000e+00, v25  }
0x65: {  	v26 =	vtrunc.f32 v21;
	v49 =	vsub.f32 v16, v23;
	v23 =	vmul.f32 $2.240000000e+02, v50  }
0x66: {  	v16 =	vsel vm14, $0x0, v19;
	v24 =	vadd.f32 $-1.000000000e+00, v24;
	v48 =	vcvt.f32.s32 v26  }
0x67: {  	v35 =	vld.idx.msk [tilespmem:v35+s15+$0x0], $0xffff;
	v25 =	vmul.f32 $2.240000000e+02, v25;
	v27 =	vsub.f32 $1.000000000e+00, v49;
	v23 =	vadd.f32 $-1.000000000e+00, v23  }
0x68: {  	v60 =	vmul.f32 $5.000000000e-01, v24;
	v24 =	vadd.s32 $0xFFFFFF20, v37;
	v61 =	vsel vm9, $0x3F800000, v49  }
0x69: {  	v37 =	vor.u32 s29, v1;
	v34 =	vadd.f32 $1.000000000e+00, v34;
	v51 =	vcvt.s32.f32 v48  }
0x6a: {  	v20 =	vsel vm8, $0x0, v61;
	v25 =	vadd.f32 $-1.000000000e+00, v25;
	vm2 =	vlt.u32 v24, $0xFFFFFF1F  }
0x6b: {  	v27 =	vnsel vm9, $0x3F800000, v27;
	v23 =	vmul.f32 $5.000000000e-01, v23;
	v62 =	vmax.f32 v60, $-8.000000000e+00  }
0x6c: {  	v35 =	vadd.f32 $1.000000000e+00, v35;
	v34 =	vmul.f32 $2.240000000e+02, v34;
	v9 =	vsel vm2, $0x0, v9  }
0x6d: {  	vm10 =	vlt.f32 v21, v51;
	v52 =	vsel vm8, v49, v27;
	v25 =	vmul.f32 $5.000000000e-01, v25  }
0x6e: {  	v28 =	vsel vm10, $0x3F800000, v2;
	v19 =	vsel vm11, $0x0, v52;
	v54 =	vsel vm10, $0xFFFFFFFF, v3  }
0x6f: {  	v23 =	vmax.f32 v23, $-8.000000000e+00;
	v35 =	vmul.f32 $2.240000000e+02, v35;
	v49 =	vadd.f32 $-1.000000000e+00, v34  }
0x70: {  	v53 =	vsub.f32 v51, v28;
	v22 =	vadd.s32 v48, v54;
	v57 =	vmin.f32 v23, $2.320000000e+02  }
0x71: {  	v25 =	vmax.f32 v25, $-8.000000000e+00;
	vm12 =	vgt.s32 v22, $0x0;
	vm13 =	veq.s32 v22, $0xDF  }
0x72: {  	v29 =	vtrunc.f32 v57;
	v30 =	vadd.s32 $0xFFFFFF20, v22;
	vm14 =	veq.s32 v22, $0xFFFFFFFF  }
0x73: {  	v25 =	vmin.f32 v25, $2.320000000e+02;
	v35 =	vadd.f32 $-1.000000000e+00, v35;
	v27 =	vsub.f32 v21, v53  }
0x74: {  	v21 =	vnsel vm12, $0x0, v22;
	v29 =	vcvt.f32.s32 v29;
	vm15 =	vlt.u32 v30, $0xFFFFFF1F  }
0x75: {  	v30 =	vmin.f32 v62, $2.320000000e+02;
	v45 =	vtrunc.f32 v25;
	v35 =	vmul.f32 $5.000000000e-01, v35  }
0x76: {  	v61 =	vmin.u32 v21, $0xDE;
	v58 =	vsub.f32 $1.000000000e+00, v27;
	v31 =	vcvt.s32.f32 v29  }
0x77: {  	[tilespmem:s22+$0xFFFFF9F0] =	vst v10;
	v63 =	vsel vm13, $0x3F800000, v27;
	v10 =	vmul.u32 $0xE0, v61;
	v35 =	vmax.f32 v35, $-8.000000000e+00  }
0x78: {  	v59 =	vnsel vm13, $0x3F800000, v58;
	vm7 =	vlt.f32 v57, v31;
	v35 =	vmin.f32 v35, $2.320000000e+02  }
0x79: {  	v22 =	vsel vm14, v27, v59;
	v36 =	vsel vm7, $0x3F800000, v2;
	v32 =	vsel vm7, $0xFFFFFFFF, v3  }
0x7a: {  	v23 =	vsel vm15, $0x0, v22;
	v27 =	vsub.f32 v31, v36;
	v22 =	vtrunc.f32 v30;
	v31 =	vld.idx.msk [tilespmem:v37+s15+$0x0], $0xffff  }
0x7b: {  	v58 =	vmul.u32 $0xE0, v17;
	v38 =	vadd.s32 v29, v32;
	v33 =	vcvt.f32.s32 v22  }
0x7c: {  	v22 =	vsel vm14, $0x0, v63;
	vm8 =	vgt.s32 v38, $0x0;
	v27 =	vsub.f32 v57, v27  }
0x7d: {  	vm9 =	veq.s32 v38, $0xFFFFFFFF;
	v32 =	vadd.s32 $0xFFFFFF20, v38;
	v39 =	vcvt.s32.f32 v33  }
0x7e: {  	vm10 =	veq.s32 v38, $0xDF;
	vm12 =	vlt.u32 v32, $0xFFFFFF1F;
	v40 =	vsub.f32 $1.000000000e+00, v27  }
0x7f: {  	v26 =	vnsel vm8, $0x0, v38;
	vm11 =	vlt.f32 v30, v39;
	v43 =	vadd.f32 $1.000000000e+00, v31  }
0x80: {  	v29 =	vnsel vm10, $0x3F800000, v40;
	v41 =	vsel vm11, $0x3F800000, v2;
	v42 =	vsel vm11, $0xFFFFFFFF, v3  }
0x81: {  	v29 =	vsel vm9, v27, v29;
	v28 =	vsub.f32 v39, v41;
	v32 =	vadd.s32 v33, v42  }
0x82: {  	v33 =	vcvt.f32.s32 v45;
	v27 =	vsel vm10, $0x3F800000, v27;
	v41 =	vtrunc.f32 v35  }
0x83: {  	v42 =	vmin.u32 v18, $0xDE;
	v29 =	vsel vm12, $0x0, v29;
	vm13 =	vgt.s32 v32, $0x0  }
0x84: {  	vm14 =	veq.s32 v32, $0xFFFFFFFF;
	vm15 =	veq.s32 v32, $0xDF;
	v36 =	vadd.s32 $0xFFFFFF20, v32  }
0x85: {  	[tilespmem:s22+$0xFFFFF3C0] =	vst v5;
	v27 =	vsel vm9, $0x0, v27;
	v5 =	vcvt.f32.s32 v41;
	v41 =	vmin.u32 v14, $0xDE  }
0x86: {  	v28 =	vsub.f32 v30, v28;
	v30 =	vmul.f32 $2.240000000e+02, v43;
	v37 =	vcvt.s32.f32 v33  }
0x87: {  	[tilespmem:s22+$0x620] =	vst v6;
	v32 =	vnsel vm13, $0x0, v32;
	vm6 =	vlt.u32 v36, $0xFFFFFF1F;
	v6 =	vadd.s32 v41, v58  }
0x88: {  	v57 =	vcvt.s32.f32 v5;
	v43 =	vmin.u32 v32, $0xDE;
	v44 =	vsub.f32 $1.000000000e+00, v28  }
0x89: {  	v30 =	vadd.f32 $-1.000000000e+00, v30;
	vm7 =	vlt.f32 v25, v37;
	v45 =	vmul.u32 $0xE0, v43  }
0x8a: {  	v46 =	vsel vm7, $0x3F800000, v2;
	v47 =	vsel vm7, $0xFFFFFFFF, v3;
	vm7 =	vlt.f32 v35, v57  }
0x8b: {  	v31 =	vnsel vm15, $0x3F800000, v44;
	v30 =	vmul.f32 $5.000000000e-01, v30;
	v36 =	vsub.f32 v37, v46  }
0x8c: {  	v33 =	vadd.s32 v33, v47;
	v62 =	vsel vm7, $0x3F800000, v2;
	v63 =	vsel vm7, $0xFFFFFFFF, v3  }
0x8d: {  	v44 =	vadd.s32 v42, v10;
	v47 =	vmul.f32 v23, v19;
	v31 =	vsel vm14, v28, v31  }
0x8e: {  	v28 =	vsel vm15, $0x3F800000, v28;
	vm8 =	vgt.s32 v33, $0x0;
	vm9 =	veq.s32 v33, $0xFFFFFFFF  }
0x8f: {  	[tilespmem:s22+$0x0] =	vst v7;
	vm10 =	veq.s32 v33, $0xDF;
	v7 =	vsub.f32 v57, v62;
	v5 =	vadd.s32 v5, v63  }
0x90: {  	v63 =	vmul.f32 v9, v8;
	v31 =	vsel vm6, $0x0, v31;
	v30 =	vmax.f32 v30, $-8.000000000e+00  }
0x91: {  	v28 =	vsel vm14, $0x0, v28;
	v37 =	vnsel vm8, $0x0, v33;
	v33 =	vadd.s32 $0xFFFFFF20, v33  }
0x92: {  	v25 =	vsub.f32 v25, v36;
	v30 =	vmin.f32 v30, $2.320000000e+02;
	vm11 =	vlt.u32 v33, $0xFFFFFF1F  }
0x93: {  	v33 =	vmul.f32 $5.000000000e-01, v49;
	v7 =	vsub.f32 v35, v7;
	v48 =	vtrunc.f32 v30  }
0x94: {  	v49 =	vmin.u32 v37, $0xDE;
	v39 =	vsub.f32 $1.000000000e+00, v25;
	v36 =	vcvt.f32.s32 v48  }
0x95: {  	v33 =	vmax.f32 v33, $-8.000000000e+00;
	v48 =	vmin.u32 v26, $0xDE;
	v61 =	vsub.f32 $1.000000000e+00, v7  }
0x96: {  	v50 =	vnsel vm10, $0x3F800000, v39;
	v33 =	vmin.f32 v33, $2.320000000e+02;
	v38 =	vcvt.s32.f32 v36  }
0x97: {  	[tilespmem:s22+$0xFFFFF9E0] =	vst v4;
	v10 =	vadd.s32 v48, v45;
	v34 =	vsel vm9, v25, v50;
	v54 =	vtrunc.f32 v33  }
0x98: {  	[tilespmem:s22+$0xFFFFF3D0] =	vst v11;
	v50 =	vmul.f32 v31, v29;
	v39 =	vcvt.f32.s32 v54;
	vm12 =	vlt.f32 v30, v38  }
0x99: {  	[tilespmem:s22+$0x10] =	vst v12;
	v34 =	vsel vm11, $0x0, v34;
	vm11 =	vgt.s32 v5, $0x0;
	v52 =	vsel vm12, $0xFFFFFFFF, v3  }
0x9a: {  	[tilespmem:s22+$0x630] =	vst v13;
	v51 =	vsel vm12, $0x3F800000, v2;
	v56 =	vcvt.s32.f32 v39;
	v36 =	vadd.s32 v36, v52  }
0x9b: {  	[tilespmem:s22+$0xFFFFFA00] =	vst v15;
	v38 =	vsub.f32 v38, v51;
	v52 =	vsel vm10, $0x3F800000, v25;
	vm13 =	vgt.s32 v36, $0x0  }
0x9c: {  	[tilespmem:s22+$0x20] =	vst v16;
	vm14 =	veq.s32 v36, $0xFFFFFFFF;
	vm15 =	veq.s32 v36, $0xDF;
	v4 =	vadd.s32 $0xFFFFFF20, v36  }
0x9d: {  	[tilespmem:s22+$0xFFFFFA10] =	vst v20;
	vm6 =	vlt.f32 v33, v56;
	v54 =	vsel vm9, $0x0, v52;
	v30 =	vsub.f32 v30, v38  }
0x9e: {  	[tilespmem:s22+$0x30] =	vst v22;
	v53 =	vnsel vm13, $0x0, v36;
	vm5 =	vlt.u32 v4, $0xFFFFFF1F;
	v59 =	vsel vm6, $0x3F800000, v2  }
0x9f: {  	[tilespmem:s22+$0xFFFFFA20] =	vst v27;
	v60 =	vsel vm6, $0xFFFFFFFF, v3;
	vm13 =	veq.s32 v5, $0xDF;
	v46 =	vmin.u32 v53, $0xDE  }
0xa0: {  	[tilespmem:s22+$0xFFFFF3E0] =	vst v6;
	v11 =	vsub.f32 v56, v59;
	v51 =	vadd.s32 v39, v60;
	v59 =	vnsel vm11, $0x0, v5  }
0xa1: {  	s20 =	sadd.s32 $0x70, s20;
	[tilespmem:s22+$0xFFFFF3F0] =	vst v44;
	v62 =	vnsel vm13, $0x3F800000, v61;
	v40 =	vsub.f32 $1.000000000e+00, v30;
	v12 =	vmul.u32 $0xE0, v46  }
0xa2: {  	s31 =	sand.u32 $0x7F0, s20;
	[tilespmem:s22+$0x650] =	vst v47;
	v53 =	vsel vm15, $0x3F800000, v30;
	vm8 =	vgt.s32 v51, $0x0;
	vm9 =	veq.s32 v51, $0xFFFFFFFF  }
0xa3: {  	[tilespmem:s31+$0x19A80] =	vst v63;
	vm10 =	veq.s32 v51, $0xDF;
	v14 =	vadd.s32 $0xFFFFFF20, v51;
	v60 =	vmin.u32 v59, $0xDE  }
0xa4: {  	[tilespmem:s22+$0xFFFFF400] =	vst v10;
	v11 =	vsub.f32 v33, v11;
	v56 =	vnsel vm8, $0x0, v51;
	vm12 =	vlt.u32 v14, $0xFFFFFF1F  }
0xa5: {  	[tilespmem:s31+$0x19480] =	vst v28;
	v55 =	vnsel vm15, $0x3F800000, v40;
	v12 =	vadd.s32 v49, v12;
	v10 =	vmin.u32 v56, $0xDE  }
0xa6: {  	[tilespmem:s22+$0x660] =	vst v50;
	v4 =	vsel vm14, v30, v55;
	v55 =	vsel vm14, $0x0, v53;
	v57 =	vsub.f32 $1.000000000e+00, v11  }
0xa7: {  	[tilespmem:s22+$0xFFFFFA30] =	vst v54;
	vm14 =	veq.s32 v5, $0xFFFFFFFF;
	v5 =	vadd.s32 $0xFFFFFF20, v5;
	v4 =	vsel vm5, $0x0, v4  }
0xa8: {  	[tilespmem:s22+$0xFFFFF410] =	vst v12;
	v12 =	vmul.u32 $0xE0, v60;
	vm15 =	vlt.u32 v5, $0xFFFFFF1F;
	v4 =	vmul.f32 v4, v34  }
0xa9: {  	p1 =	slt.u32 s20, $0x5B0;
	[tilespmem:s22+$0x50] =	vst v55;
	v5 =	vsel vm14, v7, v62;
	v7 =	vsel vm13, $0x3F800000, v7;
	v16 =	vnsel vm10, $0x3F800000, v57  }
.Ltmp0:
0xaa: {  	v58 =	vsel vm9, v11, v16;
	v11 =	vsel vm10, $0x3F800000, v11;
	[tilespmem:s22+$0x670] =	vst v4;
	v4 =	vadd.s32 v10, v12;
	(pc) =	sbr.rel @p1 .LBB2_3-.Ltmp0, $4  }
0xab: {  	v5 =	vsel vm15, $0x0, v5;
	v6 =	vsel vm12, $0x0, v58;
	[tilespmem:s22+$0xFFFFF420] =	vst v4;
	v4 =	vsel vm9, $0x0, v11  }
0xac: {  	v5 =	vmul.f32 v5, v6;
	[tilespmem:s31+$0x18E80] =	vst v4;
	v4 =	vsel vm14, $0x0, v7  }
0xad: {  	[tilespmem:s22+$0x60] =	vst v4  }
0xae: {  	s21 =	sadd.s32 $0xE0, s21;
	[tilespmem:s22+$0x680] =	vst v5;
	s22 =	sadd.s32 $0x70, s22  }
0xaf: {  	s19 =	smul.u32 $0x6200, s19;
	_ =	sdelay $0x1  }
0xb0: {  	s19 =	sshra.s32 s19, $0x2  }
.Ltmp1:
0xb1: {  	s19 =	sadd.s32 s19, s2;
	(pc) =	sbr.rel @p0 .LBB2_2-.Ltmp1, $4  }
0xb2: {  	[spmem:s19] =	stream.linear.scatter [tilespmem:s15], [sflag:$0x7], $0x1880, $0x38;
	[tilespmem:$0x1F680] =	vst v63  }
0xb3: {  	_ =	swait.ge [sflag:s14], $0x1880  }
0xb4: {  	[sflag:s14] =	ssyncset.done $0x0  }
0xb5: {  	p1 =	por $0x0, $0x0;
	s19 =	simm.s32 $0x1;
	[sflag:s14] =	ssyncadd.s32 $0xFFFFE780  }
0xb6: {  	[dreg:$0x8] =	wrdreg s5  }
0xb7: {  	[bflag:$0x0] =	sbarrier.arrive $0xFFFF  }
0xb8: {  	s19 =	simm.s32 $0x0;
	s0 =	rddreg [dreg:$0x6]  }
0xb9: {  	[tilespmem:s19], [sflag:$0x1] =	stream.linear.gather [hbm4b:s0+s19], $0xC400, $0x38;
	[tilespmem:$0x1F680] =	vst v63  }
0xba: {  	_ = 	snop  }
0xbb: {  	[tilespmem:s15], [sflag:$0x3] =	stream.linear.gather [spmem:s2], $0x1880, $0x38;
	[tilespmem:$0x1F680] =	vst v63  }
.LBB2_6:
0xbc: {  	s20 =	sand.u32 $0x1, s19  }
0xbd: {  	p0 =	seq.s32 s19, $0xB;
	s21 =	sadd.s32 $0x1, s20  }
0xbe: {  	s22 =	sxor.u32 @!p0 $0x1, s20;
	_ =	swait.ge [sflag:s21], $0xC400  }
0xbf: {  	s24 =	sadd.s32 @!p0 s19, s11;
	s23 =	smul.u32 @!p0 $0x31000, s22;
	[sflag:s21] =	ssyncset.done $0x0  }
0xc0: {  	s25 =	sadd.s32 s8, s19;
	s24 =	smul.u32 @!p0 $0x1880, s24;
	[sflag:s21] =	ssyncadd.s32 $0xFFFF3C00  }
0xc1: {  	s26 =	smul.u32 $0xC400, s20;
	s20 =	sshrl.u32 @!p0 s23, $0x2;
	s0 =	rddreg [dreg:$0x1]  }
0xc2: {  	s21 =	sadd.s32 @!p0 $0x1, s22;
	s23 =	simm.s32 @!p0 $0x0;
	s22 =	sadd.s32 @!p0 s0, s24  }
0xc3: {  	[tilespmem:s20], [sflag:s21] =	stream.linear.gather @!p0 [hbm4b:s22+s23], $0xC400, $0x38;
	[tilespmem:$0x1F680] =	vst v63  }
0xc4: {  	s20 =	smul.u32 $0xC400, s25  }
0xc5: {  	v4 =	vmov s26;
	s21 =	sshll.u32 s19, $0x5;
	p0 =	por $0x0, $0x0;
	s22 =	simm.s32 $0x0  }
.LBB2_7:
0xc6: {  	s23 =	sadd.s32 s21, s22;
	s28 =	sand.u32 $0x1, s22;
	s30 =	simm.s32 $0x10  }
0xc7: {  	s31 =	simm.s32 $0x60;
	s3 =	simm.s32 $0x20;
	p1 =	sgt.u32 s23, $0x17E  }
0xc8: {  	s10 =	simm.s32 $0x30;
	s24 =	sadd.s32 @!p1 $0x1, s22;
	s25 =	sxor.u32 @!p1 $0x1, s28  }
0xc9: {  	s26 =	sadd.s32 $0x3, s28;
	s24 =	sand.u32 @!p1 $0x1F, s24;
	s29 =	smul.u32 @!p1 $0x6200, s25  }
0xca: {  	s5 =	simm.s32 $0x40;
	_ =	swait.ge [sflag:s26], $0x1880;
	s24 =	smul.u32 @!p1 $0x6200, s24  }
0xcb: {  	s16 =	simm.s32 $0x50;
	s31 =	sand.u32 $0x70, s31;
	[sflag:s26] =	ssyncset.done $0x0  }
0xcc: {  	[sflag:s26] =	ssyncadd.s32 $0xFFFFE780;
	s26 =	sshrl.u32 @!p1 s29, $0x2;
	s24 =	sshrl.u32 @!p1 s24, $0x2  }
0xcd: {  	s25 =	sadd.s32 @!p1 $0x3, s25;
	s26 =	sadd.s32 @!p1 $0x18800, s26;
	s24 =	sadd.s32 @!p1 s24, s2  }
0xce: {  	[tilespmem:s26], [sflag:s25] =	stream.linear.gather @!p1 [spmem:s24], $0x1880, $0x38;
	[tilespmem:$0x1F680] =	vst v63  }
0xcf: {  	s7 =	sand.u32 $0x70, s30;
	s3 =	sand.u32 $0x70, s3;
	s26 =	simm.s32 $0x1  }
0xd0: {  	s10 =	sand.u32 $0x70, s10;
	s18 =	sand.u32 $0x70, s5;
	s26 =	simm.s32 @!p0 $0x0  }
0xd1: {  	s16 =	sand.u32 $0x70, s16;
	p2 =	slt.u32 @!p1 s23, $0x2;
	s24 =	smul.u32 $0x1880, s26  }
0xd2: {  	s23 =	sadd.s32 $0x5, s28;
	p1 =	por p1, !p2;
	s25 =	simm.s32 $0x0  }
0xd3: {  	_ =	swait.ge @p1 [sflag:s23], $0x620;
	s12 =	sand.u32 $0x70, s25;
	s29 =	sadd.s32 $0xFFFFFF90, s24  }
0xd4: {  	[sflag:s23] =	ssyncset.done @p1 $0x0;
	s26 =	smul.u32 $0x6200, s26;
	s0 =	sadd.s32 $0xD0, s29  }
0xd5: {  	[sflag:s23] =	ssyncadd.s32 @p1 $0xFFFFF9E0;
	s17 =	sadd.s32 $0x70, s29;
	s0 =	sand.u32 $0x3F80, s0  }
0xd6: {  	s13 =	sadd.s32 $0x80, s29;
	s17 =	sand.u32 $0x3F80, s17;
	s0 =	sor.u32 s31, s0  }
0xd7: {  	s1 =	sadd.s32 $0x90, s29;
	s30 =	sand.u32 $0x3F80, s13;
	s12 =	sor.u32 s12, s17;
	v5 =	vld [tilespmem:s0+$0x18800]  }
0xd8: {  	s5 =	sadd.s32 $0xA0, s29;
	s31 =	sand.u32 $0x3F80, s1;
	v6 =	vld [tilespmem:s12+$0x18800];
	s0 =	sor.u32 s7, s30  }
0xd9: {  	s13 =	sadd.s32 $0xC0, s29;
	s12 =	sand.u32 $0x3F80, s5;
	s3 =	sor.u32 s3, s31;
	v7 =	vld [tilespmem:s0+$0x18800]  }
0xda: {  	s7 =	sadd.s32 $0xB0, s29;
	s10 =	sor.u32 s10, s12;
	v8 =	vld [tilespmem:s3+$0x18800];
	s0 =	sand.u32 $0x3F80, s13  }
0xdb: {  	s29 =	sand.u32 $0x3F80, s7;
	v10 =	vld [tilespmem:s10+$0x18800];
	s0 =	sor.u32 s16, s0  }
0xdc: {  	s18 =	sor.u32 s18, s29;
	v14 =	vld [tilespmem:s0+$0x18800];
	s0 =	sshrl.u32 s26, $0x2  }
0xdd: {  	v12 =	vld [tilespmem:s18+$0x18800];
	s26 =	sadd.s32 $0x19440, s0  }
0xde: {  	v5 =	vadd.s32 v4, v5;
	v21 =	vld [tilespmem:s26+$0xFFFFFA40]  }
0xdf: {  	v27 =	vld [tilespmem:s26+$0x60];
	v9 =	vadd.s32 $0x1, v5  }
0xe0: {  	v33 =	vld [tilespmem:s26+$0x680];
	v11 =	vadd.s32 $0xE0, v5  }
0xe1: {  	v13 =	vadd.s32 v4, v6;
	v61 =	vld [tilespmem:s26+$0xFFFFF9E0];
	v6 =	vadd.s32 $0xE1, v5  }
0xe2: {  	v62 =	vld [tilespmem:s26+$0xFFFFF9F0];
	v15 =	vadd.s32 $0x1, v13  }
0xe3: {  	v16 =	vadd.s32 $0xE0, v13;
	v17 =	vld.idx.msk [tilespmem:v5+s4+$0x0], $0xffff  }
0xe4: {  	v19 =	vadd.s32 v4, v7;
	v7 =	vadd.s32 $0xE1, v13;
	v18 =	vld.idx.msk [tilespmem:v9+s4+$0x0], $0xffff  }
0xe5: {  	v22 =	vadd.s32 v4, v8;
	v8 =	vadd.s32 $0xE1, v19;
	v25 =	vadd.s32 v4, v10;
	v11 =	vld.idx.msk [tilespmem:v11+s4+$0x0], $0xffff  }
0xe6: {  	v10 =	vadd.s32 $0x1, v25;
	v12 =	vadd.s32 v4, v12;
	v20 =	vld.idx.msk [tilespmem:v6+s4+$0x0], $0xffff  }
0xe7: {  	v32 =	vadd.s32 v4, v14;
	v29 =	vadd.s32 $0x1, v12;
	v15 =	vld.idx.msk [tilespmem:v15+s4+$0x0], $0xffff  }
0xe8: {  	v14 =	vadd.s32 $0x1, v32;
	v5 =	vld.idx.msk [tilespmem:v16+s4+$0x0], $0xffff  }
0xe9: {  	v9 =	vadd.s32 $0x1, v19;
	v23 =	vld.idx.msk [tilespmem:v7+s4+$0x0], $0xffff  }
0xea: {  	v6 =	vadd.s32 $0xE0, v19;
	v26 =	vld.idx.msk [tilespmem:v8+s4+$0x0], $0xffff  }
0xeb: {  	v16 =	vadd.s32 $0x1, v22;
	v31 =	vld.idx.msk [tilespmem:v10+s4+$0x0], $0xffff  }
0xec: {  	v7 =	vadd.s32 $0xE0, v22;
	v29 =	vld.idx.msk [tilespmem:v29+s4+$0x0], $0xffff  }
0xed: {  	v8 =	vadd.s32 $0xE0, v25;
	v37 =	vld.idx.msk [tilespmem:v14+s4+$0x0], $0xffff  }
0xee: {  	v10 =	vadd.s32 $0xE1, v12;
	v24 =	vld.idx.msk [tilespmem:v9+s4+$0x0], $0xffff  }
0xef: {  	v34 =	vadd.s32 $0xE0, v32;
	v6 =	vld.idx.msk [tilespmem:v6+s4+$0x0], $0xffff  }
0xf0: {  	v28 =	vld.idx.msk [tilespmem:v16+s4+$0x0], $0xffff  }
0xf1: {  	v16 =	vadd.s32 $0xE1, v25;
	v7 =	vld.idx.msk [tilespmem:v7+s4+$0x0], $0xffff  }
0xf2: {  	v8 =	vld.idx.msk [tilespmem:v8+s4+$0x0], $0xffff  }
0xf3: {  	v9 =	vadd.s32 $0xE1, v22;
	v18 =	vsub.f32 v18, v17;
	v20 =	vsub.f32 v20, v11;
	v36 =	vld.idx.msk [tilespmem:v10+s4+$0x0], $0xffff  }
0xf4: {  	v10 =	vld.idx.msk [tilespmem:v34+s4+$0x0], $0xffff  }
0xf5: {  	v14 =	vmul.f32 v18, v21;
	v18 =	vmul.f32 v20, v21;
	v21 =	vld.idx.msk [tilespmem:v13+s4+$0x0], $0xffff  }
0xf6: {  	v35 =	vld.idx.msk [tilespmem:v16+s4+$0x0], $0xffff;
	v16 =	vadd.s32 $0xE1, v32  }
0xf7: {  	v13 =	vld.idx.msk [tilespmem:v25+s4+$0x0], $0xffff  }
0xf8: {  	v17 =	vadd.f32 v14, v17;
	v11 =	vadd.f32 v18, v11;
	v30 =	vld.idx.msk [tilespmem:v9+s4+$0x0], $0xffff;
	v9 =	vadd.s32 $0xE0, v12  }
0xf9: {  	v14 =	vld.idx.msk [tilespmem:v22+s4+$0x0], $0xffff  }
0xfa: {  	v12 =	vld.idx.msk [tilespmem:v12+s4+$0x0], $0xffff;
	v11 =	vsub.f32 v11, v17  }
0xfb: {  	v60 =	vld.idx.msk [tilespmem:v16+s4+$0x0], $0xffff  }
0xfc: {  	v18 =	vmul.f32 v11, v27;
	v16 =	vld.idx.msk [tilespmem:v19+s4+$0x0], $0xffff  }
0xfd: {  	v22 =	vsub.f32 v23, v5;
	v38 =	vsub.f32 v26, v6;
	v9 =	vld.idx.msk [tilespmem:v9+s4+$0x0], $0xffff  }
0xfe: {  	v15 =	vsub.f32 v15, v21;
	v11 =	vld.idx.msk [tilespmem:v32+s4+$0x0], $0xffff;
	v23 =	vadd.f32 v18, v17  }
0xff: {  	v27 =	vld [tilespmem:s26+$0xFFFFFA00];
	v20 =	vsub.f32 v30, v7;
	v19 =	vsub.f32 v35, v8  }
0x100: {  	s30 =	smul.u32 $0x1880, s28;
	v25 =	vld [tilespmem:s26+$0xFFFFFA10];
	v32 =	vmul.f32 v22, v61;
	v30 =	vsub.f32 v28, v14;
	v28 =	vsub.f32 v31, v13  }
0x101: {  	s31 =	sshrl.u32 s24, $0x2;
	v26 =	vsub.f32 v29, v12;
	v63 =	vsub.f32 v24, v16;
	v24 =	vmul.f32 v23, v33;
	v23 =	vld [tilespmem:s26+$0xFFFFFA20]  }
0x102: {  	s28 =	sadd.s32 $0x1B930, s31;
	s0 =	sshrl.u32 s30, $0x2;
	v22 =	vld [tilespmem:s26+$0xFFFFFA30];
	v29 =	vmul.f32 v38, v62;
	v18 =	vsub.f32 v36, v9;
	v33 =	vmul.f32 v15, v61  }
0x103: {  	s29 =	sadd.s32 $0x1B900, s0;
	v17 =	vsub.f32 v60, v10;
	v15 =	vld [tilespmem:s26+$0x0];
	[tilespmem:s28+$0x30] =	vst v24;
	v24 =	vsub.f32 v37, v11;
	v31 =	vmul.f32 v63, v62  }
.LBB2_8:
0x104: {  	v21 =	vadd.f32 v33, v21;
	v33 =	vld [tilespmem:s26+$0x10];
	v30 =	vmul.f32 v30, v27;
	v20 =	vmul.f32 v20, v27;
	s0 =	smov.u32 s25;
	s25 =	sadd.s32 $0x70, s25  }
0x105: {  	v5 =	vadd.f32 v32, v5;
	s3 =	sadd.s32 $0x80, s0;
	s10 =	sadd.s32 $0x90, s0;
	s12 =	sadd.s32 $0xA0, s0;
	v27 =	vld [tilespmem:s26+$0x20];
	v28 =	vmul.f32 v28, v25;
	v19 =	vmul.f32 v19, v25  }
0x106: {  	s16 =	sand.u32 $0x70, s25;
	s17 =	sadd.s32 $0xB0, s0;
	s30 =	sadd.s32 $0xC0, s0;
	v16 =	vadd.f32 v31, v16;
	v25 =	vld [tilespmem:s26+$0x30];
	v26 =	vmul.f32 v26, v23;
	v18 =	vmul.f32 v18, v23  }
0x107: {  	v6 =	vadd.f32 v29, v6;
	s3 =	sand.u32 $0x70, s3;
	s10 =	sand.u32 $0x70, s10;
	s12 =	sand.u32 $0x70, s12;
	v23 =	vld [tilespmem:s26+$0x40];
	v24 =	vmul.f32 v24, v22;
	v17 =	vmul.f32 v17, v22  }
0x108: {  	s31 =	sadd.s32 s0, s24;
	s17 =	sand.u32 $0x70, s17;
	s30 =	sand.u32 $0x70, s30;
	v14 =	vadd.f32 v30, v14;
	v7 =	vadd.f32 v20, v7;
	v20 =	vld [tilespmem:s26+$0x50]  }
0x109: {  	s0 =	sadd.s32 $0xD0, s0;
	s18 =	sadd.s32 $0x70, s31;
	s1 =	sadd.s32 $0xD0, s31;
	v13 =	vadd.f32 v28, v13;
	v8 =	vadd.f32 v19, v8;
	v22 =	vld [tilespmem:s26+$0x620]  }
0x10a: {  	s13 =	sadd.s32 $0x80, s31;
	s0 =	sand.u32 $0x70, s0;
	s1 =	sand.u32 $0x3F80, s1;
	v12 =	vadd.f32 v26, v12;
	v9 =	vadd.f32 v18, v9;
	v19 =	vld [tilespmem:s26+$0x630]  }
0x10b: {  	s5 =	sadd.s32 $0x90, s31;
	s7 =	sadd.s32 $0xA0, s31;
	s0 =	sor.u32 s0, s1;
	v11 =	vadd.f32 v24, v11;
	v10 =	vadd.f32 v17, v10;
	v18 =	vld [tilespmem:s26+$0x640]  }
0x10c: {  	v5 =	vsub.f32 v5, v21;
	v6 =	vsub.f32 v6, v16;
	s1 =	sand.u32 $0x3F80, s18;
	s18 =	sadd.s32 $0xB0, s31;
	s31 =	sadd.s32 $0xC0, s31;
	v17 =	vld [tilespmem:s0+$0x18800]  }
0x10d: {  	s5 =	sand.u32 $0x3F80, s5;
	s7 =	sand.u32 $0x3F80, s7;
	v7 =	vsub.f32 v7, v14;
	v8 =	vsub.f32 v8, v13;
	s0 =	sand.u32 $0x3F80, s13;
	v24 =	vld [tilespmem:s26+$0x650]  }
0x10e: {  	v5 =	vmul.f32 v5, v15;
	s1 =	sor.u32 s16, s1;
	s16 =	sand.u32 $0x3F80, s31;
	v9 =	vsub.f32 v9, v12;
	v10 =	vsub.f32 v10, v11;
	s13 =	sand.u32 $0x3F80, s18;
	v15 =	vld [tilespmem:s26+$0x660]  }
0x10f: {  	v6 =	vmul.f32 v6, v33;
	v7 =	vmul.f32 v7, v27;
	s0 =	sor.u32 s3, s0;
	s3 =	sor.u32 s12, s7;
	v26 =	vld [tilespmem:s1+$0x18800];
	s1 =	sor.u32 s10, s5  }
0x110: {  	p1 =	slt.u32 s25, $0x5B0;
	v5 =	vadd.f32 v5, v21;
	v8 =	vmul.f32 v8, v25;
	v9 =	vmul.f32 v9, v23;
	s5 =	sor.u32 s30, s16;
	v27 =	vld [tilespmem:s0+$0x18800];
	s0 =	sor.u32 s17, s13  }
0x111: {  	v6 =	vadd.f32 v6, v16;
	v10 =	vmul.f32 v10, v20;
	v21 =	vld [tilespmem:s1+$0x18800];
	v17 =	vadd.s32 v4, v17  }
0x112: {  	v7 =	vadd.f32 v7, v14;
	v8 =	vadd.f32 v8, v13;
	v16 =	vld [tilespmem:s3+$0x18800];
	v20 =	vadd.s32 $0x1, v17  }
0x113: {  	v9 =	vadd.f32 v9, v12;
	v10 =	vadd.f32 v10, v11;
	v14 =	vadd.s32 $0xE0, v17;
	v13 =	vld [tilespmem:s0+$0x18800]  }
0x114: {  	v5 =	vmul.f32 v5, v22;
	v23 =	vadd.s32 $0xE1, v17;
	v11 =	vadd.s32 v4, v26;
	v12 =	vld [tilespmem:s5+$0x18800]  }
0x115: {  	v22 =	vadd.s32 $0x1, v11;
	v25 =	vadd.s32 $0xE0, v11;
	v26 =	vadd.s32 v4, v27;
	v27 =	vld [tilespmem:s26+$0x670]  }
0x116: {  	v28 =	vadd.s32 $0xE1, v11;
	v29 =	vadd.s32 $0x1, v26;
	v30 =	vadd.s32 v4, v21;
	v17 =	vld.idx.msk [tilespmem:v17+s4+$0x0], $0xffff;
	[tilespmem:s28+$0xFFFFFFD0] =	vst v5  }
0x117: {  	v21 =	vadd.s32 $0xE0, v26;
	v31 =	vadd.s32 $0xE1, v26;
	v32 =	vadd.s32 v4, v16;
	v16 =	vld.idx.msk [tilespmem:v20+s4+$0x0], $0xffff  }
0x118: {  	v20 =	vadd.s32 $0x1, v30;
	v33 =	vadd.s32 $0xE0, v30;
	v34 =	vadd.s32 v4, v13;
	v13 =	vld.idx.msk [tilespmem:v14+s4+$0x0], $0xffff  }
0x119: {  	v14 =	vadd.s32 $0xE1, v30;
	v35 =	vadd.s32 $0x1, v32;
	v36 =	vadd.s32 v4, v12;
	v12 =	vld.idx.msk [tilespmem:v23+s4+$0x0], $0xffff  }
0x11a: {  	v37 =	vadd.s32 $0xE1, v32;
	v23 =	vadd.s32 $0xE0, v32;
	v38 =	vadd.s32 $0x1, v34;
	v22 =	vld.idx.msk [tilespmem:v22+s4+$0x0], $0xffff  }
0x11b: {  	s26 =	sadd.s32 $0x70, s26;
	v39 =	vadd.s32 $0xE1, v34;
	v40 =	vadd.s32 $0x1, v36;
	v5 =	vld.idx.msk [tilespmem:v25+s4+$0x0], $0xffff;
	v25 =	vadd.s32 $0xE0, v34  }
0x11c: {  	v6 =	vmul.f32 v6, v19;
	v41 =	vadd.s32 $0xE0, v36;
	v42 =	vadd.s32 $0xE1, v36;
	v43 =	vld [tilespmem:s26+$0xFFFFFA40]  }
0x11d: {  	v7 =	vmul.f32 v7, v18;
	v8 =	vmul.f32 v8, v24;
	v19 =	vld.idx.msk [tilespmem:v28+s4+$0x0], $0xffff  }
0x11e: {  	v9 =	vmul.f32 v9, v15;
	v10 =	vmul.f32 v10, v27;
	v24 =	vld.idx.msk [tilespmem:v29+s4+$0x0], $0xffff;
	[tilespmem:s28+$0xFFFFFFE0] =	vst v6  }
0x11f: {  	v15 =	vsub.f32 v16, v17;
	v12 =	vsub.f32 v12, v13;
	v6 =	vld.idx.msk [tilespmem:v21+s4+$0x0], $0xffff;
	[tilespmem:s28+$0xFFFFFFF0] =	vst v7  }
0x120: {  	v16 =	vld.idx.msk [tilespmem:v31+s4+$0x0], $0xffff;
	[tilespmem:s28+$0x0] =	vst v8  }
0x121: {  	v28 =	vld.idx.msk [tilespmem:v20+s4+$0x0], $0xffff;
	v8 =	vmul.f32 v15, v43;
	v12 =	vmul.f32 v12, v43;
	[tilespmem:s28+$0x10] =	vst v9  }
0x122: {  	v9 =	vld [tilespmem:s26+$0x60];
	[tilespmem:s28+$0x20] =	vst v10  }
0x123: {  	v7 =	vld.idx.msk [tilespmem:v33+s4+$0x0], $0xffff;
	v10 =	vadd.f32 v8, v17;
	v8 =	vadd.f32 v12, v13  }
0x124: {  	v15 =	vsub.f32 v19, v5;
	v12 =	vld.idx.msk [tilespmem:v14+s4+$0x0], $0xffff  }
0x125: {  	v29 =	vld.idx.msk [tilespmem:v35+s4+$0x0], $0xffff;
	v13 =	vsub.f32 v8, v10  }
0x126: {  	v35 =	vsub.f32 v16, v6;
	v14 =	vld [tilespmem:s26+$0x680]  }
0x127: {  	v8 =	vld.idx.msk [tilespmem:v23+s4+$0x0], $0xffff;
	v9 =	vmul.f32 v13, v9  }
0x128: {  	v13 =	vld.idx.msk [tilespmem:v37+s4+$0x0], $0xffff  }
0x129: {  	v31 =	vld.idx.msk [tilespmem:v38+s4+$0x0], $0xffff;
	v10 =	vadd.f32 v9, v10  }
0x12a: {  	v20 =	vsub.f32 v12, v7;
	v9 =	vld.idx.msk [tilespmem:v25+s4+$0x0], $0xffff  }
0x12b: {  	v12 =	vld.idx.msk [tilespmem:v39+s4+$0x0], $0xffff;
	v14 =	vmul.f32 v10, v14  }
0x12c: {  	s28 =	sadd.s32 $0x70, s28;
	v37 =	vld.idx.msk [tilespmem:v40+s4+$0x0], $0xffff  }
0x12d: {  	v10 =	vld.idx.msk [tilespmem:v41+s4+$0x0], $0xffff;
	[tilespmem:s28+$0x30] =	vst v14  }
0x12e: {  	v19 =	vsub.f32 v13, v8;
	v17 =	vld.idx.msk [tilespmem:v42+s4+$0x0], $0xffff  }
0x12f: {  	v21 =	vld.idx.msk [tilespmem:v11+s4+$0x0], $0xffff  }
0x130: {  	v16 =	vld.idx.msk [tilespmem:v26+s4+$0x0], $0xffff  }
0x131: {  	v18 =	vsub.f32 v12, v9;
	v14 =	vld.idx.msk [tilespmem:v30+s4+$0x0], $0xffff  }
0x132: {  	v13 =	vld.idx.msk [tilespmem:v32+s4+$0x0], $0xffff  }
0x133: {  	v12 =	vld.idx.msk [tilespmem:v34+s4+$0x0], $0xffff  }
0x134: {  	v17 =	vsub.f32 v17, v10;
	v11 =	vld.idx.msk [tilespmem:v36+s4+$0x0], $0xffff  }
0x135: {  	v22 =	vsub.f32 v22, v21;
	v32 =	vld [tilespmem:s26+$0xFFFFF9E0]  }
0x136: {  	v36 =	vsub.f32 v24, v16;
	v34 =	vld [tilespmem:s26+$0xFFFFF9F0]  }
.Ltmp2:
0x137: {  	v30 =	vsub.f32 v28, v14;
	v27 =	vld [tilespmem:s26+$0xFFFFFA00];
	(pc) =	sbr.rel @p1 .LBB2_8-.Ltmp2, $4  }
0x138: {  	v28 =	vsub.f32 v29, v13;
	v25 =	vld [tilespmem:s26+$0xFFFFFA10]  }
0x139: {  	v26 =	vsub.f32 v31, v12;
	v23 =	vld [tilespmem:s26+$0xFFFFFA20]  }
0x13a: {  	v24 =	vsub.f32 v37, v11;
	v33 =	vmul.f32 v22, v32;
	v32 =	vmul.f32 v15, v32;
	v22 =	vld [tilespmem:s26+$0xFFFFFA30]  }
0x13b: {  	v15 =	vld [tilespmem:s26+$0x0];
	v31 =	vmul.f32 v36, v34;
	v29 =	vmul.f32 v35, v34  }
0x13c: {  	v21 =	vadd.f32 v33, v21;
	v30 =	vmul.f32 v30, v27  }
0x13d: {  	v51 =	vld [tilespmem:s26+$0x10];
	v20 =	vmul.f32 v20, v27;
	v5 =	vadd.f32 v32, v5;
	v52 =	vmul.f32 v28, v25  }
0x13e: {  	v53 =	vld [tilespmem:s26+$0x20];
	v19 =	vmul.f32 v19, v25;
	v16 =	vadd.f32 v31, v16;
	v6 =	vadd.f32 v29, v6  }
0x13f: {  	v54 =	vld [tilespmem:s26+$0x30];
	v26 =	vmul.f32 v26, v23;
	v14 =	vadd.f32 v30, v14;
	v7 =	vadd.f32 v20, v7  }
0x140: {  	v55 =	vld [tilespmem:s26+$0x40];
	v18 =	vmul.f32 v18, v23;
	v5 =	vsub.f32 v5, v21;
	v13 =	vadd.f32 v52, v13  }
0x141: {  	v57 =	vld [tilespmem:s26+$0x50];
	v8 =	vadd.f32 v19, v8;
	v56 =	vmul.f32 v24, v22;
	v6 =	vsub.f32 v6, v16  }
0x142: {  	v58 =	vld [tilespmem:s26+$0x620];
	v17 =	vmul.f32 v17, v22;
	v12 =	vadd.f32 v26, v12;
	v9 =	vadd.f32 v18, v9  }
0x143: {  	v59 =	vld [tilespmem:s26+$0x630];
	v7 =	vsub.f32 v7, v14;
	v5 =	vmul.f32 v5, v15;
	v11 =	vadd.f32 v56, v11  }
0x144: {  	v60 =	vld [tilespmem:s26+$0x640];
	v10 =	vadd.f32 v17, v10;
	v8 =	vsub.f32 v8, v13;
	v6 =	vmul.f32 v6, v51  }
0x145: {  	v61 =	vld [tilespmem:s26+$0x650];
	v9 =	vsub.f32 v9, v12;
	v7 =	vmul.f32 v7, v53;
	v5 =	vadd.f32 v5, v21  }
0x146: {  	v62 =	vld [tilespmem:s26+$0x660];
	v10 =	vsub.f32 v10, v11;
	v8 =	vmul.f32 v8, v54;
	v6 =	vadd.f32 v6, v16  }
0x147: {  	v63 =	vld [tilespmem:s26+$0x670];
	v9 =	vmul.f32 v9, v55;
	v7 =	vadd.f32 v7, v14;
	v5 =	vmul.f32 v5, v58  }
0x148: {  	v10 =	vmul.f32 v10, v57;
	v8 =	vadd.f32 v8, v13;
	v6 =	vmul.f32 v6, v59  }
0x149: {  	s0 =	smul.u32 $0x620, s22;
	s22 =	sadd.s32 $0x1, s22;
	v9 =	vadd.f32 v9, v12;
	[tilespmem:s28+$0xFFFFFFD0] =	vst v5;
	v5 =	vmul.f32 v7, v60  }
0x14a: {  	p1 =	sne.s32 s22, $0x20;
	v7 =	vadd.f32 v10, v11;
	v8 =	vmul.f32 v8, v61;
	[tilespmem:s28+$0xFFFFFFE0] =	vst v6  }
.Ltmp3:
0x14b: {  	v6 =	vmul.f32 v9, v62;
	[tilespmem:s28+$0xFFFFFFF0] =	vst v5;
	(pc) =	sbr.rel @p1 .LBB2_7-.Ltmp3, $4  }
0x14c: {  	s0 =	sadd.s32 s20, s0;
	v5 =	vmul.f32 v7, v63;
	[tilespmem:s28+$0x0] =	vst v8  }
0x14d: {  	s0 =	sshrl.u32 s0, $0x3;
	[tilespmem:s28+$0x10] =	vst v6  }
0x14e: {  	p0 =	por !p0, !p0;
	s0 =	sadd.s32 s6, s0;
	[tilespmem:s28+$0x20] =	vst v5  }
0x14f: {  	[hbm4b:s0+s4] =	stream.linear.scatter [tilespmem:s29], [sflag:s23], $0x620, $0x38;
	[tilespmem:$0x1F680] =	vst v63  }
0x150: {  	s19 =	sadd.s32 $0x1, s19  }
0x151: {  	p0 =	sne.s32 s19, $0xC  }
.Ltmp4:
0x152: {  	_ = 	snop;
	(pc) =	sbr.rel @p0 .LBB2_6-.Ltmp4, $1  }
0x153: {  	_ =	sdelay $0x3  }
0x154: {  	s0 =	simm.s32 $0x5  }
0x155: {  	_ =	swait.ge [sflag:s0], $0x620  }
0x156: {  	[sflag:s0] =	ssyncset.done $0x0  }
0x157: {  	s1 =	simm.s32 $0x6;
	[sflag:s0] =	ssyncadd.s32 $0xFFFFF9E0  }
0x158: {  	_ =	swait.ge [sflag:s1], $0x620  }
0x159: {  	s5 =	rddreg [dreg:$0x8]  }
0x15a: {  	s31 =	rddreg [dreg:$0x7];
	s5 =	sadd.s32 $0x1, s5  }
0x15b: {  	p0 =	sne.s32 s5, s31  }
.Ltmp5:
0x15c: {  	_ = 	snop;
	(pc) =	sbr.rel @p0 .LBB2_1-.Ltmp5, $3  }
0x15d: {  	_ =	sdelay $0x1  }
0x15e: {  	[sflag:s1] =	ssyncset.done $0x0;
	s3 =	rddreg [dreg:$0x4]  }
0x15f: {  	s0 =	simm.s32 $0x1A080;
	[sflag:s1] =	ssyncadd.s32 $0xFFFFF9E0;
	s1 =	rddreg [dreg:$0x5]  }
0x160: {  	_ =	sfence.sel $0x180000  }
0x161: {  	[bflag:$0x0] =	sbarrier.arrive $0xFFFF  }
0x162: {  	_ =	strace $0x90000047  }
0x163: {  	s0 =	stileid.u32;
	[bflag:$0x2] =	sbarrier.arrive $0xFFFF  }
0x164: {  	p0 =	sne.s32 s0, $0x0;
	s0 =	rddreg [dreg:$0x3]  }
0x165: {  	s0 =	sadd.s32 @!p0 $0x100000, s0  }
0x166: {  	[sflag:s0] =	ssyncadd.tile.s32 @!p0 $0x1;
	_ =	shalt  }
.Lfunc_end2:
_tile_overlayer_lowered:
.L_overlay_start_2:
0x167: {  	(tag) =	ssettag $0x2  }
0x168: {  	s0 =	rddreg [dreg:$0x0];
	s2 =	stileid.u32  }
0x169: {  	s1 =	rddreg [dreg:$0x1];
	p0 =	sne.s32 s2, $0x0  }
0x16a: {  	s3 =	rddreg [dreg:$0x2];
	[bflag:$0x3] =	sbarrier.arrive $0xFFFF;
	s2 =	simm.s32 @!p0 $0x1C07  }
0x16b: {  	[timem:s3], [sflag:s2] =	dma.local @!p0 [hbm:s0], s1  }
0x16c: {  	s0 =	simm.s32 @!p0 $0x7  }
0x16d: {  	_ =	swait.ge @!p0 [sflag:s0], s1  }
0x16e: {  	s1 =	ssub.s32 @!p0 $0x0, s1;
	[sflag:s0] =	ssyncset.done @!p0 $0x0  }
0x16f: {  	[sflag:s0] =	ssyncadd.s32 @!p0 s1  }
0x170: {  	[bflag:$0x3] =	sbarrier.arrive $0xFFFF  }
0x171: {  	_ =	shalt  }

</sc_bundles>
